<compile_context>
chip_gen: v7x
topology: tpu7x:2x2x1
jax: 0.10.2.dev20260603
libtpu: 0.0.44.dev20260713+nightly
codegen_flags: <defaults>
</compile_context>

<pallas_src>
import functools

import jax
import jax.numpy as jnp
from jax import lax
from jax.experimental import pallas as pl
from jax.experimental.pallas import tpu as pltpu
from jax.experimental.pallas import tpu_sc as plsc

VOCAB = 1000000
EMBED_DIM = 32
BATCH = 4096
HIST = 200

B = BATCH * HIST
NC = 2
NS = 16
NW = NC * NS
BL = BATCH // NW
CHUNK = HIST
NBUF = 4
QG = HIST // 4

_mesh = plsc.VectorSubcoreMesh(core_axis_name="c", subcore_axis_name="s")


@functools.partial(
    pl.kernel,
    mesh=_mesh,
    compiler_params=pltpu.CompilerParams(use_tc_tiling_on_sc=False),
    out_type=jax.ShapeDtypeStruct((NW, HIST, BL, EMBED_DIM), jnp.float32),
    scratch_types=(
        [pltpu.VMEM((CHUNK,), jnp.int32)] * NBUF
        + [pltpu.VMEM((CHUNK, EMBED_DIM), jnp.float32)] * NBUF
        + [pltpu.SemaphoreType.DMA] * (2 * NBUF)
    ),
)
def _sc_gather(x_hbm, table_hbm, out_hbm, *refs):
    idx = refs[:NBUF]
    rows = refs[NBUF:2 * NBUF]
    sem_g = refs[2 * NBUF:3 * NBUF]
    sem_o = refs[3 * NBUF:4 * NBUF]

    wid = lax.axis_index("s") * NC + lax.axis_index("c")
    base = wid * BL * HIST

    def stage_idx(l, b):
        pltpu.sync_copy(x_hbm.at[pl.ds(base + l * CHUNK, CHUNK)], idx[b])

    def start_gather(b):
        pltpu.async_copy(table_hbm.at[idx[b]], rows[b], sem_g[b])

    def wait_gather(b):
        pltpu.make_async_copy(table_hbm.at[idx[b]], rows[b], sem_g[b]).wait()

    def start_out(l, b):
        pltpu.async_copy(rows[b], out_hbm.at[wid, :, l, :], sem_o[b])

    def wait_out(l, b):
        pltpu.make_async_copy(rows[b], out_hbm.at[wid, :, l, :], sem_o[b]).wait()

    for b in range(NBUF):
        stage_idx(b, b)
        start_gather(b)

    def body(p, carry):
        for b in range(NBUF):
            l = NBUF * p + b
            wait_gather(b)
            start_out(l, b)
            stage_idx(l + NBUF, b)
            wait_out(l, b)
            start_gather(b)
        return carry

    lax.fori_loop(0, (BL - NBUF) // NBUF, body, 0)

    for b in range(NBUF):
        l = BL - NBUF + b
        wait_gather(b)
        start_out(l, b)
    for b in range(NBUF):
        l = BL - NBUF + b
        wait_out(l, b)


HB = 25


def _tc_body(in_ref, out_ref):
    for i in range(HB):
        m = in_ref[i].reshape(BL, EMBED_DIM)
        out_ref[pl.ds(4 * i, 4), 0] = m.T.reshape(4, 8, 128)


def _tc_transpose(rows3):
    return pl.pallas_call(
        _tc_body,
        grid=(NW, HIST // HB),
        in_specs=[pl.BlockSpec((HB, 32, 128),
                               lambda bt, hb: (bt * (HIST // HB) + hb, 0, 0))],
        out_specs=pl.BlockSpec((4 * HB, 1, 8, 128),
                               lambda bt, hb: (hb, bt, 0, 0)),
        out_shape=jax.ShapeDtypeStruct((4 * HIST, NW, 8, 128), jnp.float32),
    )(rows3)


def kernel(x, weight):
    flat = x.reshape(-1)
    slabs = _sc_gather(flat, weight)
    rows3 = slabs.reshape(NW * HIST, 32, 128)
    out4 = _tc_transpose(rows3)
    out5 = out4.reshape(HIST, 4, NW, 8, 128)
    return out5.transpose(2, 4, 0, 1, 3).reshape(BATCH, HIST, EMBED_DIM)

# --- scband reference (transcript-rebuilt; emitter-appended) ---
"""Pipeline reference for scband-embedding-cuda-3994319585542 (READ-ONLY COPY).

The authoritative reference and input builder live on the scoring server;
editing this copy changes nothing except your own understanding.
"""

import jax, jax.numpy as jnp
import numpy as np

VOCAB = 1000000
EMBED_DIM = 32
BATCH = 4096
HIST = 200

def setup_inputs(seed: int = 0) -> dict:
    key = jax.random.key(seed)
    k1, k2 = jax.random.split(key)
    x = jax.random.randint(k1, (BATCH, HIST), 0, VOCAB, dtype=jnp.int64 if jax.config.jax_enable_x64 else jnp.int32)
    weight = jax.random.uniform(k2, (VOCAB, EMBED_DIM), dtype=jnp.float32)
    return {"x": x, "weight": weight}

def reference(x, weight):
    # embedding lookup: gather rows of weight by index
    return jnp.take(weight, x, axis=0)

if __name__ == "__main__":
    import jax
    _d = setup_inputs()
    print(jax.jit(kernel)(*tuple(_d.values())))

</pallas_src>

<mosaic_0001>
#map = affine_map<(d0, d1) -> (0)>
#map1 = affine_map<(d0, d1) -> (0, 0)>
#map2 = affine_map<(d0, d1) -> (0, 0, 0, 0)>
module attributes {stable_mosaic.version = 14 : i64} {
  func.func @_sc_gather(%arg0: i32, %arg1: i32, %arg2: memref<819200xi32, #tpu.memory_space<hbm>>, %arg3: memref<1000000x32xf32, #tpu.memory_space<hbm>>, %arg4: memref<32x200x128x32xf32, #tpu.memory_space<hbm>>, %arg5: memref<200xi32, #tpu.memory_space<vmem>>, %arg6: memref<200xi32, #tpu.memory_space<vmem>>, %arg7: memref<200xi32, #tpu.memory_space<vmem>>, %arg8: memref<200xi32, #tpu.memory_space<vmem>>, %arg9: memref<200x32xf32, #tpu.memory_space<vmem>>, %arg10: memref<200x32xf32, #tpu.memory_space<vmem>>, %arg11: memref<200x32xf32, #tpu.memory_space<vmem>>, %arg12: memref<200x32xf32, #tpu.memory_space<vmem>>, %arg13: memref<!tpu.dma_semaphore, #tpu.memory_space<semaphore_mem>>, %arg14: memref<!tpu.dma_semaphore, #tpu.memory_space<semaphore_mem>>, %arg15: memref<!tpu.dma_semaphore, #tpu.memory_space<semaphore_mem>>, %arg16: memref<!tpu.dma_semaphore, #tpu.memory_space<semaphore_mem>>, %arg17: memref<!tpu.dma_semaphore, #tpu.memory_space<semaphore_mem>>, %arg18: memref<!tpu.dma_semaphore, #tpu.memory_space<semaphore_mem>>, %arg19: memref<!tpu.dma_semaphore, #tpu.memory_space<semaphore_mem>>, %arg20: memref<!tpu.dma_semaphore, #tpu.memory_space<semaphore_mem>>) attributes {dimension_semantics = [#tpu.dimension_semantics<core_parallel>, #tpu.dimension_semantics<subcore_parallel>], iteration_bounds = array<i64: 2, 16>, scalar_prefetch = 0 : i64, scratch_operands = 16 : i64, tpu.core_type = #tpu.core_type<sc_vector_subcore>, window_params = [{transform_indices = #map}, {transform_indices = #map1}, {transform_indices = #map2}]} {
    %mul3A = arith.constant 2 : i32
    %mul3A_0 = arith.muli %arg1, %mul3A : i32
    %add3A = arith.addi %mul3A_0, %arg0 : i32
    %mul3A_1 = arith.constant 128 : i32
    %mul3A_2 = arith.muli %add3A, %mul3A_1 : i32
    %mul3A_3 = arith.constant 200 : i32
    %mul3A_4 = arith.muli %mul3A_2, %mul3A_3 : i32
    %add3A_5 = arith.constant 0 : i32
    %add3A_6 = arith.addi %mul3A_4, %add3A_5 : i32
    "tpu.region"() ({
      %run_scoped3A = tpu.sem_alloc : memref<!tpu.dma_semaphore, #tpu.memory_space<semaphore_mem>>
      %dma_start3A_112 = tpu.memref_slice %arg2[%add3A_6] : memref<819200xi32, #tpu.memory_space<hbm>> -> memref<200xi32, #tpu.memory_space<hbm>>
      %dma_start3A_113 = tpu.memref_slice %arg2[%add3A_6] : memref<819200xi32, #tpu.memory_space<hbm>> -> memref<200xi32, #tpu.memory_space<hbm>>
      tpu.enqueue_dma source(%dma_start3A_113 : memref<200xi32, #tpu.memory_space<hbm>>) target(%arg5 : memref<200xi32, #tpu.memory_space<vmem>>) target_semaphore(%run_scoped3A : memref<!tpu.dma_semaphore, #tpu.memory_space<semaphore_mem>>)
      %dma_wait3A_114 = tpu.memref_slice %arg2[%add3A_6] : memref<819200xi32, #tpu.memory_space<hbm>> -> memref<200xi32, #tpu.memory_space<hbm>>
      %dma_wait3A_115 = tpu.memref_slice %arg2[%add3A_6] : memref<819200xi32, #tpu.memory_space<hbm>> -> memref<200xi32, #tpu.memory_space<hbm>>
      tpu.wait_dma2 semaphore(%run_scoped3A : memref<!tpu.dma_semaphore, #tpu.memory_space<semaphore_mem>>) src(%dma_wait3A_115 : memref<200xi32, #tpu.memory_space<hbm>>) dst(%arg5 : memref<200xi32, #tpu.memory_space<vmem>>)
      tpu.yield
    }) : () -> ()
    %dma_start3A = arith.constant 0 : i32
    %dma_start3A_7 = arith.constant 0 : i32
    %dma_start3A_8 = tpu.memref_slice %arg3[%dma_start3A, %dma_start3A_7] : memref<1000000x32xf32, #tpu.memory_space<hbm>> -> memref<1000000x32xf32, #tpu.memory_space<hbm>>
    tpu.enqueue_indirect_dma source(%dma_start3A_8 : memref<1000000x32xf32, #tpu.memory_space<hbm>>) target(%arg9 : memref<200x32xf32, #tpu.memory_space<vmem>>) offsets(%arg5 : memref<200xi32, #tpu.memory_space<vmem>>) semaphore(%arg13 : memref<!tpu.dma_semaphore, #tpu.memory_space<semaphore_mem>>)
    %add3A_9 = arith.constant 200 : i32
    %add3A_10 = arith.addi %mul3A_4, %add3A_9 : i32
    "tpu.region"() ({
      %run_scoped3A = tpu.sem_alloc : memref<!tpu.dma_semaphore, #tpu.memory_space<semaphore_mem>>
      %dma_start3A_112 = tpu.memref_slice %arg2[%add3A_10] : memref<819200xi32, #tpu.memory_space<hbm>> -> memref<200xi32, #tpu.memory_space<hbm>>
      %dma_start3A_113 = tpu.memref_slice %arg2[%add3A_10] : memref<819200xi32, #tpu.memory_space<hbm>> -> memref<200xi32, #tpu.memory_space<hbm>>
      tpu.enqueue_dma source(%dma_start3A_113 : memref<200xi32, #tpu.memory_space<hbm>>) target(%arg6 : memref<200xi32, #tpu.memory_space<vmem>>) target_semaphore(%run_scoped3A : memref<!tpu.dma_semaphore, #tpu.memory_space<semaphore_mem>>)
      %dma_wait3A_114 = tpu.memref_slice %arg2[%add3A_10] : memref<819200xi32, #tpu.memory_space<hbm>> -> memref<200xi32, #tpu.memory_space<hbm>>
      %dma_wait3A_115 = tpu.memref_slice %arg2[%add3A_10] : memref<819200xi32, #tpu.memory_space<hbm>> -> memref<200xi32, #tpu.memory_space<hbm>>
      tpu.wait_dma2 semaphore(%run_scoped3A : memref<!tpu.dma_semaphore, #tpu.memory_space<semaphore_mem>>) src(%dma_wait3A_115 : memref<200xi32, #tpu.memory_space<hbm>>) dst(%arg6 : memref<200xi32, #tpu.memory_space<vmem>>)
      tpu.yield
    }) : () -> ()
    %dma_start3A_11 = arith.constant 0 : i32
    %dma_start3A_12 = arith.constant 0 : i32
    %dma_start3A_13 = tpu.memref_slice %arg3[%dma_start3A_11, %dma_start3A_12] : memref<1000000x32xf32, #tpu.memory_space<hbm>> -> memref<1000000x32xf32, #tpu.memory_space<hbm>>
    tpu.enqueue_indirect_dma source(%dma_start3A_13 : memref<1000000x32xf32, #tpu.memory_space<hbm>>) target(%arg10 : memref<200x32xf32, #tpu.memory_space<vmem>>) offsets(%arg6 : memref<200xi32, #tpu.memory_space<vmem>>) semaphore(%arg14 : memref<!tpu.dma_semaphore, #tpu.memory_space<semaphore_mem>>)
    %add3A_14 = arith.constant 400 : i32
    %add3A_15 = arith.addi %mul3A_4, %add3A_14 : i32
    "tpu.region"() ({
      %run_scoped3A = tpu.sem_alloc : memref<!tpu.dma_semaphore, #tpu.memory_space<semaphore_mem>>
      %dma_start3A_112 = tpu.memref_slice %arg2[%add3A_15] : memref<819200xi32, #tpu.memory_space<hbm>> -> memref<200xi32, #tpu.memory_space<hbm>>
      %dma_start3A_113 = tpu.memref_slice %arg2[%add3A_15] : memref<819200xi32, #tpu.memory_space<hbm>> -> memref<200xi32, #tpu.memory_space<hbm>>
      tpu.enqueue_dma source(%dma_start3A_113 : memref<200xi32, #tpu.memory_space<hbm>>) target(%arg7 : memref<200xi32, #tpu.memory_space<vmem>>) target_semaphore(%run_scoped3A : memref<!tpu.dma_semaphore, #tpu.memory_space<semaphore_mem>>)
      %dma_wait3A_114 = tpu.memref_slice %arg2[%add3A_15] : memref<819200xi32, #tpu.memory_space<hbm>> -> memref<200xi32, #tpu.memory_space<hbm>>
      %dma_wait3A_115 = tpu.memref_slice %arg2[%add3A_15] : memref<819200xi32, #tpu.memory_space<hbm>> -> memref<200xi32, #tpu.memory_space<hbm>>
      tpu.wait_dma2 semaphore(%run_scoped3A : memref<!tpu.dma_semaphore, #tpu.memory_space<semaphore_mem>>) src(%dma_wait3A_115 : memref<200xi32, #tpu.memory_space<hbm>>) dst(%arg7 : memref<200xi32, #tpu.memory_space<vmem>>)
      tpu.yield
    }) : () -> ()
    %dma_start3A_16 = arith.constant 0 : i32
    %dma_start3A_17 = arith.constant 0 : i32
    %dma_start3A_18 = tpu.memref_slice %arg3[%dma_start3A_16, %dma_start3A_17] : memref<1000000x32xf32, #tpu.memory_space<hbm>> -> memref<1000000x32xf32, #tpu.memory_space<hbm>>
    tpu.enqueue_indirect_dma source(%dma_start3A_18 : memref<1000000x32xf32, #tpu.memory_space<hbm>>) target(%arg11 : memref<200x32xf32, #tpu.memory_space<vmem>>) offsets(%arg7 : memref<200xi32, #tpu.memory_space<vmem>>) semaphore(%arg15 : memref<!tpu.dma_semaphore, #tpu.memory_space<semaphore_mem>>)
    %add3A_19 = arith.constant 600 : i32
    %add3A_20 = arith.addi %mul3A_4, %add3A_19 : i32
    "tpu.region"() ({
      %run_scoped3A = tpu.sem_alloc : memref<!tpu.dma_semaphore, #tpu.memory_space<semaphore_mem>>
      %dma_start3A_112 = tpu.memref_slice %arg2[%add3A_20] : memref<819200xi32, #tpu.memory_space<hbm>> -> memref<200xi32, #tpu.memory_space<hbm>>
      %dma_start3A_113 = tpu.memref_slice %arg2[%add3A_20] : memref<819200xi32, #tpu.memory_space<hbm>> -> memref<200xi32, #tpu.memory_space<hbm>>
      tpu.enqueue_dma source(%dma_start3A_113 : memref<200xi32, #tpu.memory_space<hbm>>) target(%arg8 : memref<200xi32, #tpu.memory_space<vmem>>) target_semaphore(%run_scoped3A : memref<!tpu.dma_semaphore, #tpu.memory_space<semaphore_mem>>)
      %dma_wait3A_114 = tpu.memref_slice %arg2[%add3A_20] : memref<819200xi32, #tpu.memory_space<hbm>> -> memref<200xi32, #tpu.memory_space<hbm>>
      %dma_wait3A_115 = tpu.memref_slice %arg2[%add3A_20] : memref<819200xi32, #tpu.memory_space<hbm>> -> memref<200xi32, #tpu.memory_space<hbm>>
      tpu.wait_dma2 semaphore(%run_scoped3A : memref<!tpu.dma_semaphore, #tpu.memory_space<semaphore_mem>>) src(%dma_wait3A_115 : memref<200xi32, #tpu.memory_space<hbm>>) dst(%arg8 : memref<200xi32, #tpu.memory_space<vmem>>)
      tpu.yield
    }) : () -> ()
    %dma_start3A_21 = arith.constant 0 : i32
    %dma_start3A_22 = arith.constant 0 : i32
    %dma_start3A_23 = tpu.memref_slice %arg3[%dma_start3A_21, %dma_start3A_22] : memref<1000000x32xf32, #tpu.memory_space<hbm>> -> memref<1000000x32xf32, #tpu.memory_space<hbm>>
    tpu.enqueue_indirect_dma source(%dma_start3A_23 : memref<1000000x32xf32, #tpu.memory_space<hbm>>) target(%arg12 : memref<200x32xf32, #tpu.memory_space<vmem>>) offsets(%arg8 : memref<200xi32, #tpu.memory_space<vmem>>) semaphore(%arg16 : memref<!tpu.dma_semaphore, #tpu.memory_space<semaphore_mem>>)
    %scan3A = arith.constant 0 : i32
    %scan3A_24 = arith.constant 0 : i32
    %scan3A_25 = arith.constant 31 : i32
    %scan3A_26 = arith.addi %scan3A_24, %scan3A_25 : i32
    %scan3A_27 = arith.constant 1 : i32
    scf.for %scan3A_112 = %scan3A_24 to %scan3A_26 step %scan3A_27  : i32 {
      %mul3A_113 = arith.constant 4 : i32
      %mul3A_114 = arith.muli %mul3A_113, %scan3A_112 : i32
      %add3A_115 = arith.constant 0 : i32
      %add3A_116 = arith.addi %mul3A_114, %add3A_115 : i32
      %dma_wait3A_117 = arith.constant 0 : i32
      %dma_wait3A_118 = arith.constant 0 : i32
      %dma_wait3A_119 = tpu.memref_slice %arg3[%dma_wait3A_117, %dma_wait3A_118] : memref<1000000x32xf32, #tpu.memory_space<hbm>> -> memref<1000000x32xf32, #tpu.memory_space<hbm>>
      tpu.wait_indirect_dma semaphore(%arg13 : memref<!tpu.dma_semaphore, #tpu.memory_space<semaphore_mem>>) src(%dma_wait3A_119 : memref<1000000x32xf32, #tpu.memory_space<hbm>>) dst(%arg9 : memref<200x32xf32, #tpu.memory_space<vmem>>)
      %dma_start3A_120 = arith.constant 0 : i32
      %dma_start3A_121 = arith.constant 0 : i32
      %dma_start3A_122 = tpu.memref_slice %arg4[%add3A, %dma_start3A_120, %add3A_116, %dma_start3A_121] : memref<32x200x128x32xf32, #tpu.memory_space<hbm>> -> memref<1x200x1x32xf32, #tpu.memory_space<hbm>>
      %dma_start3A_123 = tpu.memref_squeeze %dma_start3A_122 : memref<1x200x1x32xf32, #tpu.memory_space<hbm>> -> memref<200x32xf32, #tpu.memory_space<hbm>>
      %dma_start3A_124 = arith.constant 0 : i32
      %dma_start3A_125 = arith.constant 0 : i32
      %dma_start3A_126 = tpu.memref_slice %arg4[%add3A, %dma_start3A_124, %add3A_116, %dma_start3A_125] : memref<32x200x128x32xf32, #tpu.memory_space<hbm>> -> memref<1x200x1x32xf32, #tpu.memory_space<hbm>>
      %dma_start3A_127 = tpu.memref_squeeze %dma_start3A_126 : memref<1x200x1x32xf32, #tpu.memory_space<hbm>> -> memref<200x32xf32, #tpu.memory_space<hbm>>
      tpu.enqueue_dma source(%arg9 : memref<200x32xf32, #tpu.memory_space<vmem>>) target(%dma_start3A_127 : memref<200x32xf32, #tpu.memory_space<hbm>>) target_semaphore(%arg17 : memref<!tpu.dma_semaphore, #tpu.memory_space<semaphore_mem>>)
      %add3A_128 = arith.constant 4 : i32
      %add3A_129 = arith.addi %add3A_116, %add3A_128 : i32
      %mul3A_130 = arith.constant 200 : i32
      %mul3A_131 = arith.muli %add3A_129, %mul3A_130 : i32
      %add3A_132 = arith.addi %mul3A_4, %mul3A_131 : i32
      "tpu.region"() ({
        %run_scoped3A = tpu.sem_alloc : memref<!tpu.dma_semaphore, #tpu.memory_space<semaphore_mem>>
        %dma_start3A_237 = tpu.memref_slice %arg2[%add3A_132] : memref<819200xi32, #tpu.memory_space<hbm>> -> memref<200xi32, #tpu.memory_space<hbm>>
        %dma_start3A_238 = tpu.memref_slice %arg2[%add3A_132] : memref<819200xi32, #tpu.memory_space<hbm>> -> memref<200xi32, #tpu.memory_space<hbm>>
        tpu.enqueue_dma source(%dma_start3A_238 : memref<200xi32, #tpu.memory_space<hbm>>) target(%arg5 : memref<200xi32, #tpu.memory_space<vmem>>) target_semaphore(%run_scoped3A : memref<!tpu.dma_semaphore, #tpu.memory_space<semaphore_mem>>)
        %dma_wait3A_239 = tpu.memref_slice %arg2[%add3A_132] : memref<819200xi32, #tpu.memory_space<hbm>> -> memref<200xi32, #tpu.memory_space<hbm>>
        %dma_wait3A_240 = tpu.memref_slice %arg2[%add3A_132] : memref<819200xi32, #tpu.memory_space<hbm>> -> memref<200xi32, #tpu.memory_space<hbm>>
        tpu.wait_dma2 semaphore(%run_scoped3A : memref<!tpu.dma_semaphore, #tpu.memory_space<semaphore_mem>>) src(%dma_wait3A_240 : memref<200xi32, #tpu.memory_space<hbm>>) dst(%arg5 : memref<200xi32, #tpu.memory_space<vmem>>)
        tpu.yield
      }) : () -> ()
      %dma_wait3A_133 = arith.constant 0 : i32
      %dma_wait3A_134 = arith.constant 0 : i32
      %dma_wait3A_135 = tpu.memref_slice %arg4[%add3A, %dma_wait3A_133, %add3A_116, %dma_wait3A_134] : memref<32x200x128x32xf32, #tpu.memory_space<hbm>> -> memref<1x200x1x32xf32, #tpu.memory_space<hbm>>
      %dma_wait3A_136 = tpu.memref_squeeze %dma_wait3A_135 : memref<1x200x1x32xf32, #tpu.memory_space<hbm>> -> memref<200x32xf32, #tpu.memory_space<hbm>>
      %dma_wait3A_137 = arith.constant 0 : i32
      %dma_wait3A_138 = arith.constant 0 : i32
      %dma_wait3A_139 = tpu.memref_slice %arg4[%add3A, %dma_wait3A_137, %add3A_116, %dma_wait3A_138] : memref<32x200x128x32xf32, #tpu.memory_space<hbm>> -> memref<1x200x1x32xf32, #tpu.memory_space<hbm>>
      %dma_wait3A_140 = tpu.memref_squeeze %dma_wait3A_139 : memref<1x200x1x32xf32, #tpu.memory_space<hbm>> -> memref<200x32xf32, #tpu.memory_space<hbm>>
      tpu.wait_dma2 semaphore(%arg17 : memref<!tpu.dma_semaphore, #tpu.memory_space<semaphore_mem>>) src(%arg9 : memref<200x32xf32, #tpu.memory_space<vmem>>) dst(%dma_wait3A_140 : memref<200x32xf32, #tpu.memory_space<hbm>>)
      %dma_start3A_141 = arith.constant 0 : i32
      %dma_start3A_142 = arith.constant 0 : i32
      %dma_start3A_143 = tpu.memref_slice %arg3[%dma_start3A_141, %dma_start3A_142] : memref<1000000x32xf32, #tpu.memory_space<hbm>> -> memref<1000000x32xf32, #tpu.memory_space<hbm>>
      tpu.enqueue_indirect_dma source(%dma_start3A_143 : memref<1000000x32xf32, #tpu.memory_space<hbm>>) target(%arg9 : memref<200x32xf32, #tpu.memory_space<vmem>>) offsets(%arg5 : memref<200xi32, #tpu.memory_space<vmem>>) semaphore(%arg13 : memref<!tpu.dma_semaphore, #tpu.memory_space<semaphore_mem>>)
      %mul3A_144 = arith.constant 4 : i32
      %mul3A_145 = arith.muli %mul3A_144, %scan3A_112 : i32
      %add3A_146 = arith.constant 1 : i32
      %add3A_147 = arith.addi %mul3A_145, %add3A_146 : i32
      %dma_wait3A_148 = arith.constant 0 : i32
      %dma_wait3A_149 = arith.constant 0 : i32
      %dma_wait3A_150 = tpu.memref_slice %arg3[%dma_wait3A_148, %dma_wait3A_149] : memref<1000000x32xf32, #tpu.memory_space<hbm>> -> memref<1000000x32xf32, #tpu.memory_space<hbm>>
      tpu.wait_indirect_dma semaphore(%arg14 : memref<!tpu.dma_semaphore, #tpu.memory_space<semaphore_mem>>) src(%dma_wait3A_150 : memref<1000000x32xf32, #tpu.memory_space<hbm>>) dst(%arg10 : memref<200x32xf32, #tpu.memory_space<vmem>>)
      %dma_start3A_151 = arith.constant 0 : i32
      %dma_start3A_152 = arith.constant 0 : i32
      %dma_start3A_153 = tpu.memref_slice %arg4[%add3A, %dma_start3A_151, %add3A_147, %dma_start3A_152] : memref<32x200x128x32xf32, #tpu.memory_space<hbm>> -> memref<1x200x1x32xf32, #tpu.memory_space<hbm>>
      %dma_start3A_154 = tpu.memref_squeeze %dma_start3A_153 : memref<1x200x1x32xf32, #tpu.memory_space<hbm>> -> memref<200x32xf32, #tpu.memory_space<hbm>>
      %dma_start3A_155 = arith.constant 0 : i32
      %dma_start3A_156 = arith.constant 0 : i32
      %dma_start3A_157 = tpu.memref_slice %arg4[%add3A, %dma_start3A_155, %add3A_147, %dma_start3A_156] : memref<32x200x128x32xf32, #tpu.memory_space<hbm>> -> memref<1x200x1x32xf32, #tpu.memory_space<hbm>>
      %dma_start3A_158 = tpu.memref_squeeze %dma_start3A_157 : memref<1x200x1x32xf32, #tpu.memory_space<hbm>> -> memref<200x32xf32, #tpu.memory_space<hbm>>
      tpu.enqueue_dma source(%arg10 : memref<200x32xf32, #tpu.memory_space<vmem>>) target(%dma_start3A_158 : memref<200x32xf32, #tpu.memory_space<hbm>>) target_semaphore(%arg18 : memref<!tpu.dma_semaphore, #tpu.memory_space<semaphore_mem>>)
      %add3A_159 = arith.constant 4 : i32
      %add3A_160 = arith.addi %add3A_147, %add3A_159 : i32
      %mul3A_161 = arith.constant 200 : i32
      %mul3A_162 = arith.muli %add3A_160, %mul3A_161 : i32
      %add3A_163 = arith.addi %mul3A_4, %mul3A_162 : i32
      "tpu.region"() ({
        %run_scoped3A = tpu.sem_alloc : memref<!tpu.dma_semaphore, #tpu.memory_space<semaphore_mem>>
        %dma_start3A_237 = tpu.memref_slice %arg2[%add3A_163] : memref<819200xi32, #tpu.memory_space<hbm>> -> memref<200xi32, #tpu.memory_space<hbm>>
        %dma_start3A_238 = tpu.memref_slice %arg2[%add3A_163] : memref<819200xi32, #tpu.memory_space<hbm>> -> memref<200xi32, #tpu.memory_space<hbm>>
        tpu.enqueue_dma source(%dma_start3A_238 : memref<200xi32, #tpu.memory_space<hbm>>) target(%arg6 : memref<200xi32, #tpu.memory_space<vmem>>) target_semaphore(%run_scoped3A : memref<!tpu.dma_semaphore, #tpu.memory_space<semaphore_mem>>)
        %dma_wait3A_239 = tpu.memref_slice %arg2[%add3A_163] : memref<819200xi32, #tpu.memory_space<hbm>> -> memref<200xi32, #tpu.memory_space<hbm>>
        %dma_wait3A_240 = tpu.memref_slice %arg2[%add3A_163] : memref<819200xi32, #tpu.memory_space<hbm>> -> memref<200xi32, #tpu.memory_space<hbm>>
        tpu.wait_dma2 semaphore(%run_scoped3A : memref<!tpu.dma_semaphore, #tpu.memory_space<semaphore_mem>>) src(%dma_wait3A_240 : memref<200xi32, #tpu.memory_space<hbm>>) dst(%arg6 : memref<200xi32, #tpu.memory_space<vmem>>)
        tpu.yield
      }) : () -> ()
      %dma_wait3A_164 = arith.constant 0 : i32
      %dma_wait3A_165 = arith.constant 0 : i32
      %dma_wait3A_166 = tpu.memref_slice %arg4[%add3A, %dma_wait3A_164, %add3A_147, %dma_wait3A_165] : memref<32x200x128x32xf32, #tpu.memory_space<hbm>> -> memref<1x200x1x32xf32, #tpu.memory_space<hbm>>
      %dma_wait3A_167 = tpu.memref_squeeze %dma_wait3A_166 : memref<1x200x1x32xf32, #tpu.memory_space<hbm>> -> memref<200x32xf32, #tpu.memory_space<hbm>>
      %dma_wait3A_168 = arith.constant 0 : i32
      %dma_wait3A_169 = arith.constant 0 : i32
      %dma_wait3A_170 = tpu.memref_slice %arg4[%add3A, %dma_wait3A_168, %add3A_147, %dma_wait3A_169] : memref<32x200x128x32xf32, #tpu.memory_space<hbm>> -> memref<1x200x1x32xf32, #tpu.memory_space<hbm>>
      %dma_wait3A_171 = tpu.memref_squeeze %dma_wait3A_170 : memref<1x200x1x32xf32, #tpu.memory_space<hbm>> -> memref<200x32xf32, #tpu.memory_space<hbm>>
      tpu.wait_dma2 semaphore(%arg18 : memref<!tpu.dma_semaphore, #tpu.memory_space<semaphore_mem>>) src(%arg10 : memref<200x32xf32, #tpu.memory_space<vmem>>) dst(%dma_wait3A_171 : memref<200x32xf32, #tpu.memory_space<hbm>>)
      %dma_start3A_172 = arith.constant 0 : i32
      %dma_start3A_173 = arith.constant 0 : i32
      %dma_start3A_174 = tpu.memref_slice %arg3[%dma_start3A_172, %dma_start3A_173] : memref<1000000x32xf32, #tpu.memory_space<hbm>> -> memref<1000000x32xf32, #tpu.memory_space<hbm>>
      tpu.enqueue_indirect_dma source(%dma_start3A_174 : memref<1000000x32xf32, #tpu.memory_space<hbm>>) target(%arg10 : memref<200x32xf32, #tpu.memory_space<vmem>>) offsets(%arg6 : memref<200xi32, #tpu.memory_space<vmem>>) semaphore(%arg14 : memref<!tpu.dma_semaphore, #tpu.memory_space<semaphore_mem>>)
      %mul3A_175 = arith.constant 4 : i32
      %mul3A_176 = arith.muli %mul3A_175, %scan3A_112 : i32
      %add3A_177 = arith.constant 2 : i32
      %add3A_178 = arith.addi %mul3A_176, %add3A_177 : i32
      %dma_wait3A_179 = arith.constant 0 : i32
      %dma_wait3A_180 = arith.constant 0 : i32
      %dma_wait3A_181 = tpu.memref_slice %arg3[%dma_wait3A_179, %dma_wait3A_180] : memref<1000000x32xf32, #tpu.memory_space<hbm>> -> memref<1000000x32xf32, #tpu.memory_space<hbm>>
      tpu.wait_indirect_dma semaphore(%arg15 : memref<!tpu.dma_semaphore, #tpu.memory_space<semaphore_mem>>) src(%dma_wait3A_181 : memref<1000000x32xf32, #tpu.memory_space<hbm>>) dst(%arg11 : memref<200x32xf32, #tpu.memory_space<vmem>>)
      %dma_start3A_182 = arith.constant 0 : i32
      %dma_start3A_183 = arith.constant 0 : i32
      %dma_start3A_184 = tpu.memref_slice %arg4[%add3A, %dma_start3A_182, %add3A_178, %dma_start3A_183] : memref<32x200x128x32xf32, #tpu.memory_space<hbm>> -> memref<1x200x1x32xf32, #tpu.memory_space<hbm>>
      %dma_start3A_185 = tpu.memref_squeeze %dma_start3A_184 : memref<1x200x1x32xf32, #tpu.memory_space<hbm>> -> memref<200x32xf32, #tpu.memory_space<hbm>>
      %dma_start3A_186 = arith.constant 0 : i32
      %dma_start3A_187 = arith.constant 0 : i32
      %dma_start3A_188 = tpu.memref_slice %arg4[%add3A, %dma_start3A_186, %add3A_178, %dma_start3A_187] : memref<32x200x128x32xf32, #tpu.memory_space<hbm>> -> memref<1x200x1x32xf32, #tpu.memory_space<hbm>>
      %dma_start3A_189 = tpu.memref_squeeze %dma_start3A_188 : memref<1x200x1x32xf32, #tpu.memory_space<hbm>> -> memref<200x32xf32, #tpu.memory_space<hbm>>
      tpu.enqueue_dma source(%arg11 : memref<200x32xf32, #tpu.memory_space<vmem>>) target(%dma_start3A_189 : memref<200x32xf32, #tpu.memory_space<hbm>>) target_semaphore(%arg19 : memref<!tpu.dma_semaphore, #tpu.memory_space<semaphore_mem>>)
      %add3A_190 = arith.constant 4 : i32
      %add3A_191 = arith.addi %add3A_178, %add3A_190 : i32
      %mul3A_192 = arith.constant 200 : i32
      %mul3A_193 = arith.muli %add3A_191, %mul3A_192 : i32
      %add3A_194 = arith.addi %mul3A_4, %mul3A_193 : i32
      "tpu.region"() ({
        %run_scoped3A = tpu.sem_alloc : memref<!tpu.dma_semaphore, #tpu.memory_space<semaphore_mem>>
        %dma_start3A_237 = tpu.memref_slice %arg2[%add3A_194] : memref<819200xi32, #tpu.memory_space<hbm>> -> memref<200xi32, #tpu.memory_space<hbm>>
        %dma_start3A_238 = tpu.memref_slice %arg2[%add3A_194] : memref<819200xi32, #tpu.memory_space<hbm>> -> memref<200xi32, #tpu.memory_space<hbm>>
        tpu.enqueue_dma source(%dma_start3A_238 : memref<200xi32, #tpu.memory_space<hbm>>) target(%arg7 : memref<200xi32, #tpu.memory_space<vmem>>) target_semaphore(%run_scoped3A : memref<!tpu.dma_semaphore, #tpu.memory_space<semaphore_mem>>)
        %dma_wait3A_239 = tpu.memref_slice %arg2[%add3A_194] : memref<819200xi32, #tpu.memory_space<hbm>> -> memref<200xi32, #tpu.memory_space<hbm>>
        %dma_wait3A_240 = tpu.memref_slice %arg2[%add3A_194] : memref<819200xi32, #tpu.memory_space<hbm>> -> memref<200xi32, #tpu.memory_space<hbm>>
        tpu.wait_dma2 semaphore(%run_scoped3A : memref<!tpu.dma_semaphore, #tpu.memory_space<semaphore_mem>>) src(%dma_wait3A_240 : memref<200xi32, #tpu.memory_space<hbm>>) dst(%arg7 : memref<200xi32, #tpu.memory_space<vmem>>)
        tpu.yield
      }) : () -> ()
      %dma_wait3A_195 = arith.constant 0 : i32
      %dma_wait3A_196 = arith.constant 0 : i32
      %dma_wait3A_197 = tpu.memref_slice %arg4[%add3A, %dma_wait3A_195, %add3A_178, %dma_wait3A_196] : memref<32x200x128x32xf32, #tpu.memory_space<hbm>> -> memref<1x200x1x32xf32, #tpu.memory_space<hbm>>
      %dma_wait3A_198 = tpu.memref_squeeze %dma_wait3A_197 : memref<1x200x1x32xf32, #tpu.memory_space<hbm>> -> memref<200x32xf32, #tpu.memory_space<hbm>>
      %dma_wait3A_199 = arith.constant 0 : i32
      %dma_wait3A_200 = arith.constant 0 : i32
      %dma_wait3A_201 = tpu.memref_slice %arg4[%add3A, %dma_wait3A_199, %add3A_178, %dma_wait3A_200] : memref<32x200x128x32xf32, #tpu.memory_space<hbm>> -> memref<1x200x1x32xf32, #tpu.memory_space<hbm>>
      %dma_wait3A_202 = tpu.memref_squeeze %dma_wait3A_201 : memref<1x200x1x32xf32, #tpu.memory_space<hbm>> -> memref<200x32xf32, #tpu.memory_space<hbm>>
      tpu.wait_dma2 semaphore(%arg19 : memref<!tpu.dma_semaphore, #tpu.memory_space<semaphore_mem>>) src(%arg11 : memref<200x32xf32, #tpu.memory_space<vmem>>) dst(%dma_wait3A_202 : memref<200x32xf32, #tpu.memory_space<hbm>>)
      %dma_start3A_203 = arith.constant 0 : i32
      %dma_start3A_204 = arith.constant 0 : i32
      %dma_start3A_205 = tpu.memref_slice %arg3[%dma_start3A_203, %dma_start3A_204] : memref<1000000x32xf32, #tpu.memory_space<hbm>> -> memref<1000000x32xf32, #tpu.memory_space<hbm>>
      tpu.enqueue_indirect_dma source(%dma_start3A_205 : memref<1000000x32xf32, #tpu.memory_space<hbm>>) target(%arg11 : memref<200x32xf32, #tpu.memory_space<vmem>>) offsets(%arg7 : memref<200xi32, #tpu.memory_space<vmem>>) semaphore(%arg15 : memref<!tpu.dma_semaphore, #tpu.memory_space<semaphore_mem>>)
      %mul3A_206 = arith.constant 4 : i32
      %mul3A_207 = arith.muli %mul3A_206, %scan3A_112 : i32
      %add3A_208 = arith.constant 3 : i32
      %add3A_209 = arith.addi %mul3A_207, %add3A_208 : i32
      %dma_wait3A_210 = arith.constant 0 : i32
      %dma_wait3A_211 = arith.constant 0 : i32
      %dma_wait3A_212 = tpu.memref_slice %arg3[%dma_wait3A_210, %dma_wait3A_211] : memref<1000000x32xf32, #tpu.memory_space<hbm>> -> memref<1000000x32xf32, #tpu.memory_space<hbm>>
      tpu.wait_indirect_dma semaphore(%arg16 : memref<!tpu.dma_semaphore, #tpu.memory_space<semaphore_mem>>) src(%dma_wait3A_212 : memref<1000000x32xf32, #tpu.memory_space<hbm>>) dst(%arg12 : memref<200x32xf32, #tpu.memory_space<vmem>>)
      %dma_start3A_213 = arith.constant 0 : i32
      %dma_start3A_214 = arith.constant 0 : i32
      %dma_start3A_215 = tpu.memref_slice %arg4[%add3A, %dma_start3A_213, %add3A_209, %dma_start3A_214] : memref<32x200x128x32xf32, #tpu.memory_space<hbm>> -> memref<1x200x1x32xf32, #tpu.memory_space<hbm>>
      %dma_start3A_216 = tpu.memref_squeeze %dma_start3A_215 : memref<1x200x1x32xf32, #tpu.memory_space<hbm>> -> memref<200x32xf32, #tpu.memory_space<hbm>>
      %dma_start3A_217 = arith.constant 0 : i32
      %dma_start3A_218 = arith.constant 0 : i32
      %dma_start3A_219 = tpu.memref_slice %arg4[%add3A, %dma_start3A_217, %add3A_209, %dma_start3A_218] : memref<32x200x128x32xf32, #tpu.memory_space<hbm>> -> memref<1x200x1x32xf32, #tpu.memory_space<hbm>>
      %dma_start3A_220 = tpu.memref_squeeze %dma_start3A_219 : memref<1x200x1x32xf32, #tpu.memory_space<hbm>> -> memref<200x32xf32, #tpu.memory_space<hbm>>
      tpu.enqueue_dma source(%arg12 : memref<200x32xf32, #tpu.memory_space<vmem>>) target(%dma_start3A_220 : memref<200x32xf32, #tpu.memory_space<hbm>>) target_semaphore(%arg20 : memref<!tpu.dma_semaphore, #tpu.memory_space<semaphore_mem>>)
      %add3A_221 = arith.constant 4 : i32
      %add3A_222 = arith.addi %add3A_209, %add3A_221 : i32
      %mul3A_223 = arith.constant 200 : i32
      %mul3A_224 = arith.muli %add3A_222, %mul3A_223 : i32
      %add3A_225 = arith.addi %mul3A_4, %mul3A_224 : i32
      "tpu.region"() ({
        %run_scoped3A = tpu.sem_alloc : memref<!tpu.dma_semaphore, #tpu.memory_space<semaphore_mem>>
        %dma_start3A_237 = tpu.memref_slice %arg2[%add3A_225] : memref<819200xi32, #tpu.memory_space<hbm>> -> memref<200xi32, #tpu.memory_space<hbm>>
        %dma_start3A_238 = tpu.memref_slice %arg2[%add3A_225] : memref<819200xi32, #tpu.memory_space<hbm>> -> memref<200xi32, #tpu.memory_space<hbm>>
        tpu.enqueue_dma source(%dma_start3A_238 : memref<200xi32, #tpu.memory_space<hbm>>) target(%arg8 : memref<200xi32, #tpu.memory_space<vmem>>) target_semaphore(%run_scoped3A : memref<!tpu.dma_semaphore, #tpu.memory_space<semaphore_mem>>)
        %dma_wait3A_239 = tpu.memref_slice %arg2[%add3A_225] : memref<819200xi32, #tpu.memory_space<hbm>> -> memref<200xi32, #tpu.memory_space<hbm>>
        %dma_wait3A_240 = tpu.memref_slice %arg2[%add3A_225] : memref<819200xi32, #tpu.memory_space<hbm>> -> memref<200xi32, #tpu.memory_space<hbm>>
        tpu.wait_dma2 semaphore(%run_scoped3A : memref<!tpu.dma_semaphore, #tpu.memory_space<semaphore_mem>>) src(%dma_wait3A_240 : memref<200xi32, #tpu.memory_space<hbm>>) dst(%arg8 : memref<200xi32, #tpu.memory_space<vmem>>)
        tpu.yield
      }) : () -> ()
      %dma_wait3A_226 = arith.constant 0 : i32
      %dma_wait3A_227 = arith.constant 0 : i32
      %dma_wait3A_228 = tpu.memref_slice %arg4[%add3A, %dma_wait3A_226, %add3A_209, %dma_wait3A_227] : memref<32x200x128x32xf32, #tpu.memory_space<hbm>> -> memref<1x200x1x32xf32, #tpu.memory_space<hbm>>
      %dma_wait3A_229 = tpu.memref_squeeze %dma_wait3A_228 : memref<1x200x1x32xf32, #tpu.memory_space<hbm>> -> memref<200x32xf32, #tpu.memory_space<hbm>>
      %dma_wait3A_230 = arith.constant 0 : i32
      %dma_wait3A_231 = arith.constant 0 : i32
      %dma_wait3A_232 = tpu.memref_slice %arg4[%add3A, %dma_wait3A_230, %add3A_209, %dma_wait3A_231] : memref<32x200x128x32xf32, #tpu.memory_space<hbm>> -> memref<1x200x1x32xf32, #tpu.memory_space<hbm>>
      %dma_wait3A_233 = tpu.memref_squeeze %dma_wait3A_232 : memref<1x200x1x32xf32, #tpu.memory_space<hbm>> -> memref<200x32xf32, #tpu.memory_space<hbm>>
      tpu.wait_dma2 semaphore(%arg20 : memref<!tpu.dma_semaphore, #tpu.memory_space<semaphore_mem>>) src(%arg12 : memref<200x32xf32, #tpu.memory_space<vmem>>) dst(%dma_wait3A_233 : memref<200x32xf32, #tpu.memory_space<hbm>>)
      %dma_start3A_234 = arith.constant 0 : i32
      %dma_start3A_235 = arith.constant 0 : i32
      %dma_start3A_236 = tpu.memref_slice %arg3[%dma_start3A_234, %dma_start3A_235] : memref<1000000x32xf32, #tpu.memory_space<hbm>> -> memref<1000000x32xf32, #tpu.memory_space<hbm>>
      tpu.enqueue_indirect_dma source(%dma_start3A_236 : memref<1000000x32xf32, #tpu.memory_space<hbm>>) target(%arg12 : memref<200x32xf32, #tpu.memory_space<vmem>>) offsets(%arg8 : memref<200xi32, #tpu.memory_space<vmem>>) semaphore(%arg16 : memref<!tpu.dma_semaphore, #tpu.memory_space<semaphore_mem>>)
    }
    %scan3A_28 = arith.constant 31 : i32
    %dma_wait3A = arith.constant 0 : i32
    %dma_wait3A_29 = arith.constant 0 : i32
    %dma_wait3A_30 = tpu.memref_slice %arg3[%dma_wait3A, %dma_wait3A_29] : memref<1000000x32xf32, #tpu.memory_space<hbm>> -> memref<1000000x32xf32, #tpu.memory_space<hbm>>
    tpu.wait_indirect_dma semaphore(%arg13 : memref<!tpu.dma_semaphore, #tpu.memory_space<semaphore_mem>>) src(%dma_wait3A_30 : memref<1000000x32xf32, #tpu.memory_space<hbm>>) dst(%arg9 : memref<200x32xf32, #tpu.memory_space<vmem>>)
    %dma_start3A_31 = arith.constant 124 : i32
    %dma_start3A_32 = arith.constant 0 : i32
    %dma_start3A_33 = arith.constant 0 : i32
    %dma_start3A_34 = tpu.memref_slice %arg4[%add3A, %dma_start3A_32, %dma_start3A_31, %dma_start3A_33] : memref<32x200x128x32xf32, #tpu.memory_space<hbm>> -> memref<1x200x1x32xf32, #tpu.memory_space<hbm>>
    %dma_start3A_35 = tpu.memref_squeeze %dma_start3A_34 : memref<1x200x1x32xf32, #tpu.memory_space<hbm>> -> memref<200x32xf32, #tpu.memory_space<hbm>>
    %dma_start3A_36 = arith.constant 0 : i32
    %dma_start3A_37 = arith.constant 0 : i32
    %dma_start3A_38 = tpu.memref_slice %arg4[%add3A, %dma_start3A_36, %dma_start3A_31, %dma_start3A_37] : memref<32x200x128x32xf32, #tpu.memory_space<hbm>> -> memref<1x200x1x32xf32, #tpu.memory_space<hbm>>
    %dma_start3A_39 = tpu.memref_squeeze %dma_start3A_38 : memref<1x200x1x32xf32, #tpu.memory_space<hbm>> -> memref<200x32xf32, #tpu.memory_space<hbm>>
    tpu.enqueue_dma source(%arg9 : memref<200x32xf32, #tpu.memory_space<vmem>>) target(%dma_start3A_39 : memref<200x32xf32, #tpu.memory_space<hbm>>) target_semaphore(%arg17 : memref<!tpu.dma_semaphore, #tpu.memory_space<semaphore_mem>>)
    %dma_wait3A_40 = arith.constant 0 : i32
    %dma_wait3A_41 = arith.constant 0 : i32
    %dma_wait3A_42 = tpu.memref_slice %arg3[%dma_wait3A_40, %dma_wait3A_41] : memref<1000000x32xf32, #tpu.memory_space<hbm>> -> memref<1000000x32xf32, #tpu.memory_space<hbm>>
    tpu.wait_indirect_dma semaphore(%arg14 : memref<!tpu.dma_semaphore, #tpu.memory_space<semaphore_mem>>) src(%dma_wait3A_42 : memref<1000000x32xf32, #tpu.memory_space<hbm>>) dst(%arg10 : memref<200x32xf32, #tpu.memory_space<vmem>>)
    %dma_start3A_43 = arith.constant 125 : i32
    %dma_start3A_44 = arith.constant 0 : i32
    %dma_start3A_45 = arith.constant 0 : i32
    %dma_start3A_46 = tpu.memref_slice %arg4[%add3A, %dma_start3A_44, %dma_start3A_43, %dma_start3A_45] : memref<32x200x128x32xf32, #tpu.memory_space<hbm>> -> memref<1x200x1x32xf32, #tpu.memory_space<hbm>>
    %dma_start3A_47 = tpu.memref_squeeze %dma_start3A_46 : memref<1x200x1x32xf32, #tpu.memory_space<hbm>> -> memref<200x32xf32, #tpu.memory_space<hbm>>
    %dma_start3A_48 = arith.constant 0 : i32
    %dma_start3A_49 = arith.constant 0 : i32
    %dma_start3A_50 = tpu.memref_slice %arg4[%add3A, %dma_start3A_48, %dma_start3A_43, %dma_start3A_49] : memref<32x200x128x32xf32, #tpu.memory_space<hbm>> -> memref<1x200x1x32xf32, #tpu.memory_space<hbm>>
    %dma_start3A_51 = tpu.memref_squeeze %dma_start3A_50 : memref<1x200x1x32xf32, #tpu.memory_space<hbm>> -> memref<200x32xf32, #tpu.memory_space<hbm>>
    tpu.enqueue_dma source(%arg10 : memref<200x32xf32, #tpu.memory_space<vmem>>) target(%dma_start3A_51 : memref<200x32xf32, #tpu.memory_space<hbm>>) target_semaphore(%arg18 : memref<!tpu.dma_semaphore, #tpu.memory_space<semaphore_mem>>)
    %dma_wait3A_52 = arith.constant 0 : i32
    %dma_wait3A_53 = arith.constant 0 : i32
    %dma_wait3A_54 = tpu.memref_slice %arg3[%dma_wait3A_52, %dma_wait3A_53] : memref<1000000x32xf32, #tpu.memory_space<hbm>> -> memref<1000000x32xf32, #tpu.memory_space<hbm>>
    tpu.wait_indirect_dma semaphore(%arg15 : memref<!tpu.dma_semaphore, #tpu.memory_space<semaphore_mem>>) src(%dma_wait3A_54 : memref<1000000x32xf32, #tpu.memory_space<hbm>>) dst(%arg11 : memref<200x32xf32, #tpu.memory_space<vmem>>)
    %dma_start3A_55 = arith.constant 126 : i32
    %dma_start3A_56 = arith.constant 0 : i32
    %dma_start3A_57 = arith.constant 0 : i32
    %dma_start3A_58 = tpu.memref_slice %arg4[%add3A, %dma_start3A_56, %dma_start3A_55, %dma_start3A_57] : memref<32x200x128x32xf32, #tpu.memory_space<hbm>> -> memref<1x200x1x32xf32, #tpu.memory_space<hbm>>
    %dma_start3A_59 = tpu.memref_squeeze %dma_start3A_58 : memref<1x200x1x32xf32, #tpu.memory_space<hbm>> -> memref<200x32xf32, #tpu.memory_space<hbm>>
    %dma_start3A_60 = arith.constant 0 : i32
    %dma_start3A_61 = arith.constant 0 : i32
    %dma_start3A_62 = tpu.memref_slice %arg4[%add3A, %dma_start3A_60, %dma_start3A_55, %dma_start3A_61] : memref<32x200x128x32xf32, #tpu.memory_space<hbm>> -> memref<1x200x1x32xf32, #tpu.memory_space<hbm>>
    %dma_start3A_63 = tpu.memref_squeeze %dma_start3A_62 : memref<1x200x1x32xf32, #tpu.memory_space<hbm>> -> memref<200x32xf32, #tpu.memory_space<hbm>>
    tpu.enqueue_dma source(%arg11 : memref<200x32xf32, #tpu.memory_space<vmem>>) target(%dma_start3A_63 : memref<200x32xf32, #tpu.memory_space<hbm>>) target_semaphore(%arg19 : memref<!tpu.dma_semaphore, #tpu.memory_space<semaphore_mem>>)
    %dma_wait3A_64 = arith.constant 0 : i32
    %dma_wait3A_65 = arith.constant 0 : i32
    %dma_wait3A_66 = tpu.memref_slice %arg3[%dma_wait3A_64, %dma_wait3A_65] : memref<1000000x32xf32, #tpu.memory_space<hbm>> -> memref<1000000x32xf32, #tpu.memory_space<hbm>>
    tpu.wait_indirect_dma semaphore(%arg16 : memref<!tpu.dma_semaphore, #tpu.memory_space<semaphore_mem>>) src(%dma_wait3A_66 : memref<1000000x32xf32, #tpu.memory_space<hbm>>) dst(%arg12 : memref<200x32xf32, #tpu.memory_space<vmem>>)
    %dma_start3A_67 = arith.constant 127 : i32
    %dma_start3A_68 = arith.constant 0 : i32
    %dma_start3A_69 = arith.constant 0 : i32
    %dma_start3A_70 = tpu.memref_slice %arg4[%add3A, %dma_start3A_68, %dma_start3A_67, %dma_start3A_69] : memref<32x200x128x32xf32, #tpu.memory_space<hbm>> -> memref<1x200x1x32xf32, #tpu.memory_space<hbm>>
    %dma_start3A_71 = tpu.memref_squeeze %dma_start3A_70 : memref<1x200x1x32xf32, #tpu.memory_space<hbm>> -> memref<200x32xf32, #tpu.memory_space<hbm>>
    %dma_start3A_72 = arith.constant 0 : i32
    %dma_start3A_73 = arith.constant 0 : i32
    %dma_start3A_74 = tpu.memref_slice %arg4[%add3A, %dma_start3A_72, %dma_start3A_67, %dma_start3A_73] : memref<32x200x128x32xf32, #tpu.memory_space<hbm>> -> memref<1x200x1x32xf32, #tpu.memory_space<hbm>>
    %dma_start3A_75 = tpu.memref_squeeze %dma_start3A_74 : memref<1x200x1x32xf32, #tpu.memory_space<hbm>> -> memref<200x32xf32, #tpu.memory_space<hbm>>
    tpu.enqueue_dma source(%arg12 : memref<200x32xf32, #tpu.memory_space<vmem>>) target(%dma_start3A_75 : memref<200x32xf32, #tpu.memory_space<hbm>>) target_semaphore(%arg20 : memref<!tpu.dma_semaphore, #tpu.memory_space<semaphore_mem>>)
    %dma_wait3A_76 = arith.constant 124 : i32
    %dma_wait3A_77 = arith.constant 0 : i32
    %dma_wait3A_78 = arith.constant 0 : i32
    %dma_wait3A_79 = tpu.memref_slice %arg4[%add3A, %dma_wait3A_77, %dma_wait3A_76, %dma_wait3A_78] : memref<32x200x128x32xf32, #tpu.memory_space<hbm>> -> memref<1x200x1x32xf32, #tpu.memory_space<hbm>>
    %dma_wait3A_80 = tpu.memref_squeeze %dma_wait3A_79 : memref<1x200x1x32xf32, #tpu.memory_space<hbm>> -> memref<200x32xf32, #tpu.memory_space<hbm>>
    %dma_wait3A_81 = arith.constant 0 : i32
    %dma_wait3A_82 = arith.constant 0 : i32
    %dma_wait3A_83 = tpu.memref_slice %arg4[%add3A, %dma_wait3A_81, %dma_wait3A_76, %dma_wait3A_82] : memref<32x200x128x32xf32, #tpu.memory_space<hbm>> -> memref<1x200x1x32xf32, #tpu.memory_space<hbm>>
    %dma_wait3A_84 = tpu.memref_squeeze %dma_wait3A_83 : memref<1x200x1x32xf32, #tpu.memory_space<hbm>> -> memref<200x32xf32, #tpu.memory_space<hbm>>
    tpu.wait_dma2 semaphore(%arg17 : memref<!tpu.dma_semaphore, #tpu.memory_space<semaphore_mem>>) src(%arg9 : memref<200x32xf32, #tpu.memory_space<vmem>>) dst(%dma_wait3A_84 : memref<200x32xf32, #tpu.memory_space<hbm>>)
    %dma_wait3A_85 = arith.constant 125 : i32
    %dma_wait3A_86 = arith.constant 0 : i32
    %dma_wait3A_87 = arith.constant 0 : i32
    %dma_wait3A_88 = tpu.memref_slice %arg4[%add3A, %dma_wait3A_86, %dma_wait3A_85, %dma_wait3A_87] : memref<32x200x128x32xf32, #tpu.memory_space<hbm>> -> memref<1x200x1x32xf32, #tpu.memory_space<hbm>>
    %dma_wait3A_89 = tpu.memref_squeeze %dma_wait3A_88 : memref<1x200x1x32xf32, #tpu.memory_space<hbm>> -> memref<200x32xf32, #tpu.memory_space<hbm>>
    %dma_wait3A_90 = arith.constant 0 : i32
    %dma_wait3A_91 = arith.constant 0 : i32
    %dma_wait3A_92 = tpu.memref_slice %arg4[%add3A, %dma_wait3A_90, %dma_wait3A_85, %dma_wait3A_91] : memref<32x200x128x32xf32, #tpu.memory_space<hbm>> -> memref<1x200x1x32xf32, #tpu.memory_space<hbm>>
    %dma_wait3A_93 = tpu.memref_squeeze %dma_wait3A_92 : memref<1x200x1x32xf32, #tpu.memory_space<hbm>> -> memref<200x32xf32, #tpu.memory_space<hbm>>
    tpu.wait_dma2 semaphore(%arg18 : memref<!tpu.dma_semaphore, #tpu.memory_space<semaphore_mem>>) src(%arg10 : memref<200x32xf32, #tpu.memory_space<vmem>>) dst(%dma_wait3A_93 : memref<200x32xf32, #tpu.memory_space<hbm>>)
    %dma_wait3A_94 = arith.constant 126 : i32
    %dma_wait3A_95 = arith.constant 0 : i32
    %dma_wait3A_96 = arith.constant 0 : i32
    %dma_wait3A_97 = tpu.memref_slice %arg4[%add3A, %dma_wait3A_95, %dma_wait3A_94, %dma_wait3A_96] : memref<32x200x128x32xf32, #tpu.memory_space<hbm>> -> memref<1x200x1x32xf32, #tpu.memory_space<hbm>>
    %dma_wait3A_98 = tpu.memref_squeeze %dma_wait3A_97 : memref<1x200x1x32xf32, #tpu.memory_space<hbm>> -> memref<200x32xf32, #tpu.memory_space<hbm>>
    %dma_wait3A_99 = arith.constant 0 : i32
    %dma_wait3A_100 = arith.constant 0 : i32
    %dma_wait3A_101 = tpu.memref_slice %arg4[%add3A, %dma_wait3A_99, %dma_wait3A_94, %dma_wait3A_100] : memref<32x200x128x32xf32, #tpu.memory_space<hbm>> -> memref<1x200x1x32xf32, #tpu.memory_space<hbm>>
    %dma_wait3A_102 = tpu.memref_squeeze %dma_wait3A_101 : memref<1x200x1x32xf32, #tpu.memory_space<hbm>> -> memref<200x32xf32, #tpu.memory_space<hbm>>
    tpu.wait_dma2 semaphore(%arg19 : memref<!tpu.dma_semaphore, #tpu.memory_space<semaphore_mem>>) src(%arg11 : memref<200x32xf32, #tpu.memory_space<vmem>>) dst(%dma_wait3A_102 : memref<200x32xf32, #tpu.memory_space<hbm>>)
    %dma_wait3A_103 = arith.constant 127 : i32
    %dma_wait3A_104 = arith.constant 0 : i32
    %dma_wait3A_105 = arith.constant 0 : i32
    %dma_wait3A_106 = tpu.memref_slice %arg4[%add3A, %dma_wait3A_104, %dma_wait3A_103, %dma_wait3A_105] : memref<32x200x128x32xf32, #tpu.memory_space<hbm>> -> memref<1x200x1x32xf32, #tpu.memory_space<hbm>>
    %dma_wait3A_107 = tpu.memref_squeeze %dma_wait3A_106 : memref<1x200x1x32xf32, #tpu.memory_space<hbm>> -> memref<200x32xf32, #tpu.memory_space<hbm>>
    %dma_wait3A_108 = arith.constant 0 : i32
    %dma_wait3A_109 = arith.constant 0 : i32
    %dma_wait3A_110 = tpu.memref_slice %arg4[%add3A, %dma_wait3A_108, %dma_wait3A_103, %dma_wait3A_109] : memref<32x200x128x32xf32, #tpu.memory_space<hbm>> -> memref<1x200x1x32xf32, #tpu.memory_space<hbm>>
    %dma_wait3A_111 = tpu.memref_squeeze %dma_wait3A_110 : memref<1x200x1x32xf32, #tpu.memory_space<hbm>> -> memref<200x32xf32, #tpu.memory_space<hbm>>
    tpu.wait_dma2 semaphore(%arg20 : memref<!tpu.dma_semaphore, #tpu.memory_space<semaphore_mem>>) src(%arg12 : memref<200x32xf32, #tpu.memory_space<vmem>>) dst(%dma_wait3A_111 : memref<200x32xf32, #tpu.memory_space<hbm>>)
    return
  }
}

module attributes {stable_mosaic.version = 14 : i64} {
  func.func @_tc_body(%arg0: i32, %arg1: i32, %arg2: memref<25x32x128xf32, #tpu.memory_space<vmem>>, %arg3: memref<100x1x8x128xf32, #tpu.memory_space<vmem>>) attributes {dimension_semantics = [#tpu.dimension_semantics<arbitrary>, #tpu.dimension_semantics<arbitrary>], iteration_bounds = array<i64: 32, 8>, scalar_prefetch = 0 : i64, scratch_operands = 0 : i64, tpu.core_type = #tpu.core_type<tc>, window_params = [{transform_indices = @transform_0, window_bounds = array<i64: 25, 32, 128>}, {transform_indices = @transform_1, window_bounds = array<i64: 100, 1, 8, 128>}]} {
    %get3A = arith.constant 0 : index
    %get3A_0 = arith.constant 0 : index
    %get3A_1 = arith.constant 0 : index
    %get3A_2 = vector.load %arg2[%get3A, %get3A_0, %get3A_1] : memref<25x32x128xf32, #tpu.memory_space<vmem>>, vector<1x32x128xf32>
    %get3A_3 = vector.shape_cast %get3A_2 : vector<1x32x128xf32> to vector<32x128xf32>
    %reshape3A = vector.shape_cast %get3A_3 : vector<32x128xf32> to vector<128x32xf32>
    %transpose3A = tpu.transpose %reshape3A, [1, 0] : vector<128x32xf32> -> vector<32x128xf32>
    %reshape3A_4 = vector.shape_cast %transpose3A : vector<32x128xf32> to vector<4x8x128xf32>
    %swap3A = arith.constant 0 : index
    %swap3A_5 = arith.constant 0 : index
    %swap3A_6 = arith.constant 0 : index
    %swap3A_7 = arith.constant 0 : index
    %swap3A_8 = vector.load %arg3[%swap3A, %swap3A_5, %swap3A_6, %swap3A_7] : memref<100x1x8x128xf32, #tpu.memory_space<vmem>>, vector<4x1x8x128xf32>
    %swap3A_9 = vector.shape_cast %swap3A_8 : vector<4x1x8x128xf32> to vector<4x8x128xf32>
    %swap3A_10 = vector.shape_cast %reshape3A_4 : vector<4x8x128xf32> to vector<4x1x8x128xf32>
    tpu.vector_store %arg3[%swap3A, %swap3A_5, %swap3A_6, %swap3A_7], %swap3A_10 {strides = array<i32>} : memref<100x1x8x128xf32, #tpu.memory_space<vmem>>, vector<4x1x8x128xf32>,
    %get3A_11 = arith.constant 1 : index
    %get3A_12 = arith.constant 0 : index
    %get3A_13 = arith.constant 0 : index
    %get3A_14 = vector.load %arg2[%get3A_11, %get3A_12, %get3A_13] : memref<25x32x128xf32, #tpu.memory_space<vmem>>, vector<1x32x128xf32>
    %get3A_15 = vector.shape_cast %get3A_14 : vector<1x32x128xf32> to vector<32x128xf32>
    %reshape3A_16 = vector.shape_cast %get3A_15 : vector<32x128xf32> to vector<128x32xf32>
    %transpose3A_17 = tpu.transpose %reshape3A_16, [1, 0] : vector<128x32xf32> -> vector<32x128xf32>
    %reshape3A_18 = vector.shape_cast %transpose3A_17 : vector<32x128xf32> to vector<4x8x128xf32>
    %swap3A_19 = arith.constant 4 : index
    %swap3A_20 = arith.constant 0 : index
    %swap3A_21 = arith.constant 0 : index
    %swap3A_22 = arith.constant 0 : index
    %swap3A_23 = vector.load %arg3[%swap3A_19, %swap3A_20, %swap3A_21, %swap3A_22] : memref<100x1x8x128xf32, #tpu.memory_space<vmem>>, vector<4x1x8x128xf32>
    %swap3A_24 = vector.shape_cast %swap3A_23 : vector<4x1x8x128xf32> to vector<4x8x128xf32>
    %swap3A_25 = vector.shape_cast %reshape3A_18 : vector<4x8x128xf32> to vector<4x1x8x128xf32>
    tpu.vector_store %arg3[%swap3A_19, %swap3A_20, %swap3A_21, %swap3A_22], %swap3A_25 {strides = array<i32>} : memref<100x1x8x128xf32, #tpu.memory_space<vmem>>, vector<4x1x8x128xf32>,
    %get3A_26 = arith.constant 2 : index
    %get3A_27 = arith.constant 0 : index
    %get3A_28 = arith.constant 0 : index
    %get3A_29 = vector.load %arg2[%get3A_26, %get3A_27, %get3A_28] : memref<25x32x128xf32, #tpu.memory_space<vmem>>, vector<1x32x128xf32>
    %get3A_30 = vector.shape_cast %get3A_29 : vector<1x32x128xf32> to vector<32x128xf32>
    %reshape3A_31 = vector.shape_cast %get3A_30 : vector<32x128xf32> to vector<128x32xf32>
    %transpose3A_32 = tpu.transpose %reshape3A_31, [1, 0] : vector<128x32xf32> -> vector<32x128xf32>
    %reshape3A_33 = vector.shape_cast %transpose3A_32 : vector<32x128xf32> to vector<4x8x128xf32>
    %swap3A_34 = arith.constant 8 : index
    %swap3A_35 = arith.constant 0 : index
    %swap3A_36 = arith.constant 0 : index
    %swap3A_37 = arith.constant 0 : index
    %swap3A_38 = vector.load %arg3[%swap3A_34, %swap3A_35, %swap3A_36, %swap3A_37] : memref<100x1x8x128xf32, #tpu.memory_space<vmem>>, vector<4x1x8x128xf32>
    %swap3A_39 = vector.shape_cast %swap3A_38 : vector<4x1x8x128xf32> to vector<4x8x128xf32>
    %swap3A_40 = vector.shape_cast %reshape3A_33 : vector<4x8x128xf32> to vector<4x1x8x128xf32>
    tpu.vector_store %arg3[%swap3A_34, %swap3A_35, %swap3A_36, %swap3A_37], %swap3A_40 {strides = array<i32>} : memref<100x1x8x128xf32, #tpu.memory_space<vmem>>, vector<4x1x8x128xf32>,
    %get3A_41 = arith.constant 3 : index
    %get3A_42 = arith.constant 0 : index
    %get3A_43 = arith.constant 0 : index
    %get3A_44 = vector.load %arg2[%get3A_41, %get3A_42, %get3A_43] : memref<25x32x128xf32, #tpu.memory_space<vmem>>, vector<1x32x128xf32>
    %get3A_45 = vector.shape_cast %get3A_44 : vector<1x32x128xf32> to vector<32x128xf32>
    %reshape3A_46 = vector.shape_cast %get3A_45 : vector<32x128xf32> to vector<128x32xf32>
    %transpose3A_47 = tpu.transpose %reshape3A_46, [1, 0] : vector<128x32xf32> -> vector<32x128xf32>
    %reshape3A_48 = vector.shape_cast %transpose3A_47 : vector<32x128xf32> to vector<4x8x128xf32>
    %swap3A_49 = arith.constant 12 : index
    %swap3A_50 = arith.constant 0 : index
    %swap3A_51 = arith.constant 0 : index
    %swap3A_52 = arith.constant 0 : index
    %swap3A_53 = vector.load %arg3[%swap3A_49, %swap3A_50, %swap3A_51, %swap3A_52] : memref<100x1x8x128xf32, #tpu.memory_space<vmem>>, vector<4x1x8x128xf32>
    %swap3A_54 = vector.shape_cast %swap3A_53 : vector<4x1x8x128xf32> to vector<4x8x128xf32>
    %swap3A_55 = vector.shape_cast %reshape3A_48 : vector<4x8x128xf32> to vector<4x1x8x128xf32>
    tpu.vector_store %arg3[%swap3A_49, %swap3A_50, %swap3A_51, %swap3A_52], %swap3A_55 {strides = array<i32>} : memref<100x1x8x128xf32, #tpu.memory_space<vmem>>, vector<4x1x8x128xf32>,
    %get3A_56 = arith.constant 4 : index
    %get3A_57 = arith.constant 0 : index
    %get3A_58 = arith.constant 0 : index
    %get3A_59 = vector.load %arg2[%get3A_56, %get3A_57, %get3A_58] : memref<25x32x128xf32, #tpu.memory_space<vmem>>, vector<1x32x128xf32>
    %get3A_60 = vector.shape_cast %get3A_59 : vector<1x32x128xf32> to vector<32x128xf32>
    %reshape3A_61 = vector.shape_cast %get3A_60 : vector<32x128xf32> to vector<128x32xf32>
    %transpose3A_62 = tpu.transpose %reshape3A_61, [1, 0] : vector<128x32xf32> -> vector<32x128xf32>
    %reshape3A_63 = vector.shape_cast %transpose3A_62 : vector<32x128xf32> to vector<4x8x128xf32>
    %swap3A_64 = arith.constant 16 : index
    %swap3A_65 = arith.constant 0 : index
    %swap3A_66 = arith.constant 0 : index
    %swap3A_67 = arith.constant 0 : index
    %swap3A_68 = vector.load %arg3[%swap3A_64, %swap3A_65, %swap3A_66, %swap3A_67] : memref<100x1x8x128xf32, #tpu.memory_space<vmem>>, vector<4x1x8x128xf32>
    %swap3A_69 = vector.shape_cast %swap3A_68 : vector<4x1x8x128xf32> to vector<4x8x128xf32>
    %swap3A_70 = vector.shape_cast %reshape3A_63 : vector<4x8x128xf32> to vector<4x1x8x128xf32>
    tpu.vector_store %arg3[%swap3A_64, %swap3A_65, %swap3A_66, %swap3A_67], %swap3A_70 {strides = array<i32>} : memref<100x1x8x128xf32, #tpu.memory_space<vmem>>, vector<4x1x8x128xf32>,
    %get3A_71 = arith.constant 5 : index
    %get3A_72 = arith.constant 0 : index
    %get3A_73 = arith.constant 0 : index
    %get3A_74 = vector.load %arg2[%get3A_71, %get3A_72, %get3A_73] : memref<25x32x128xf32, #tpu.memory_space<vmem>>, vector<1x32x128xf32>
    %get3A_75 = vector.shape_cast %get3A_74 : vector<1x32x128xf32> to vector<32x128xf32>
    %reshape3A_76 = vector.shape_cast %get3A_75 : vector<32x128xf32> to vector<128x32xf32>
    %transpose3A_77 = tpu.transpose %reshape3A_76, [1, 0] : vector<128x32xf32> -> vector<32x128xf32>
    %reshape3A_78 = vector.shape_cast %transpose3A_77 : vector<32x128xf32> to vector<4x8x128xf32>
    %swap3A_79 = arith.constant 20 : index
    %swap3A_80 = arith.constant 0 : index
    %swap3A_81 = arith.constant 0 : index
    %swap3A_82 = arith.constant 0 : index
    %swap3A_83 = vector.load %arg3[%swap3A_79, %swap3A_80, %swap3A_81, %swap3A_82] : memref<100x1x8x128xf32, #tpu.memory_space<vmem>>, vector<4x1x8x128xf32>
    %swap3A_84 = vector.shape_cast %swap3A_83 : vector<4x1x8x128xf32> to vector<4x8x128xf32>
    %swap3A_85 = vector.shape_cast %reshape3A_78 : vector<4x8x128xf32> to vector<4x1x8x128xf32>
    tpu.vector_store %arg3[%swap3A_79, %swap3A_80, %swap3A_81, %swap3A_82], %swap3A_85 {strides = array<i32>} : memref<100x1x8x128xf32, #tpu.memory_space<vmem>>, vector<4x1x8x128xf32>,
    %get3A_86 = arith.constant 6 : index
    %get3A_87 = arith.constant 0 : index
    %get3A_88 = arith.constant 0 : index
    %get3A_89 = vector.load %arg2[%get3A_86, %get3A_87, %get3A_88] : memref<25x32x128xf32, #tpu.memory_space<vmem>>, vector<1x32x128xf32>
    %get3A_90 = vector.shape_cast %get3A_89 : vector<1x32x128xf32> to vector<32x128xf32>
    %reshape3A_91 = vector.shape_cast %get3A_90 : vector<32x128xf32> to vector<128x32xf32>
    %transpose3A_92 = tpu.transpose %reshape3A_91, [1, 0] : vector<128x32xf32> -> vector<32x128xf32>
    %reshape3A_93 = vector.shape_cast %transpose3A_92 : vector<32x128xf32> to vector<4x8x128xf32>
    %swap3A_94 = arith.constant 24 : index
    %swap3A_95 = arith.constant 0 : index
    %swap3A_96 = arith.constant 0 : index
    %swap3A_97 = arith.constant 0 : index
    %swap3A_98 = vector.load %arg3[%swap3A_94, %swap3A_95, %swap3A_96, %swap3A_97] : memref<100x1x8x128xf32, #tpu.memory_space<vmem>>, vector<4x1x8x128xf32>
    %swap3A_99 = vector.shape_cast %swap3A_98 : vector<4x1x8x128xf32> to vector<4x8x128xf32>
    %swap3A_100 = vector.shape_cast %reshape3A_93 : vector<4x8x128xf32> to vector<4x1x8x128xf32>
    tpu.vector_store %arg3[%swap3A_94, %swap3A_95, %swap3A_96, %swap3A_97], %swap3A_100 {strides = array<i32>} : memref<100x1x8x128xf32, #tpu.memory_space<vmem>>, vector<4x1x8x128xf32>,
    %get3A_101 = arith.constant 7 : index
    %get3A_102 = arith.constant 0 : index
    %get3A_103 = arith.constant 0 : index
    %get3A_104 = vector.load %arg2[%get3A_101, %get3A_102, %get3A_103] : memref<25x32x128xf32, #tpu.memory_space<vmem>>, vector<1x32x128xf32>
    %get3A_105 = vector.shape_cast %get3A_104 : vector<1x32x128xf32> to vector<32x128xf32>
    %reshape3A_106 = vector.shape_cast %get3A_105 : vector<32x128xf32> to vector<128x32xf32>
    %transpose3A_107 = tpu.transpose %reshape3A_106, [1, 0] : vector<128x32xf32> -> vector<32x128xf32>
    %reshape3A_108 = vector.shape_cast %transpose3A_107 : vector<32x128xf32> to vector<4x8x128xf32>
    %swap3A_109 = arith.constant 28 : index
    %swap3A_110 = arith.constant 0 : index
    %swap3A_111 = arith.constant 0 : index
    %swap3A_112 = arith.constant 0 : index
    %swap3A_113 = vector.load %arg3[%swap3A_109, %swap3A_110, %swap3A_111, %swap3A_112] : memref<100x1x8x128xf32, #tpu.memory_space<vmem>>, vector<4x1x8x128xf32>
    %swap3A_114 = vector.shape_cast %swap3A_113 : vector<4x1x8x128xf32> to vector<4x8x128xf32>
    %swap3A_115 = vector.shape_cast %reshape3A_108 : vector<4x8x128xf32> to vector<4x1x8x128xf32>
    tpu.vector_store %arg3[%swap3A_109, %swap3A_110, %swap3A_111, %swap3A_112], %swap3A_115 {strides = array<i32>} : memref<100x1x8x128xf32, #tpu.memory_space<vmem>>, vector<4x1x8x128xf32>,
    %get3A_116 = arith.constant 8 : index
    %get3A_117 = arith.constant 0 : index
    %get3A_118 = arith.constant 0 : index
    %get3A_119 = vector.load %arg2[%get3A_116, %get3A_117, %get3A_118] : memref<25x32x128xf32, #tpu.memory_space<vmem>>, vector<1x32x128xf32>
    %get3A_120 = vector.shape_cast %get3A_119 : vector<1x32x128xf32> to vector<32x128xf32>
    %reshape3A_121 = vector.shape_cast %get3A_120 : vector<32x128xf32> to vector<128x32xf32>
    %transpose3A_122 = tpu.transpose %reshape3A_121, [1, 0] : vector<128x32xf32> -> vector<32x128xf32>
    %reshape3A_123 = vector.shape_cast %transpose3A_122 : vector<32x128xf32> to vector<4x8x128xf32>
    %swap3A_124 = arith.constant 32 : index
    %swap3A_125 = arith.constant 0 : index
    %swap3A_126 = arith.constant 0 : index
    %swap3A_127 = arith.constant 0 : index
    %swap3A_128 = vector.load %arg3[%swap3A_124, %swap3A_125, %swap3A_126, %swap3A_127] : memref<100x1x8x128xf32, #tpu.memory_space<vmem>>, vector<4x1x8x128xf32>
    %swap3A_129 = vector.shape_cast %swap3A_128 : vector<4x1x8x128xf32> to vector<4x8x128xf32>
    %swap3A_130 = vector.shape_cast %reshape3A_123 : vector<4x8x128xf32> to vector<4x1x8x128xf32>
    tpu.vector_store %arg3[%swap3A_124, %swap3A_125, %swap3A_126, %swap3A_127], %swap3A_130 {strides = array<i32>} : memref<100x1x8x128xf32, #tpu.memory_space<vmem>>, vector<4x1x8x128xf32>,
    %get3A_131 = arith.constant 9 : index
    %get3A_132 = arith.constant 0 : index
    %get3A_133 = arith.constant 0 : index
    %get3A_134 = vector.load %arg2[%get3A_131, %get3A_132, %get3A_133] : memref<25x32x128xf32, #tpu.memory_space<vmem>>, vector<1x32x128xf32>
    %get3A_135 = vector.shape_cast %get3A_134 : vector<1x32x128xf32> to vector<32x128xf32>
    %reshape3A_136 = vector.shape_cast %get3A_135 : vector<32x128xf32> to vector<128x32xf32>
    %transpose3A_137 = tpu.transpose %reshape3A_136, [1, 0] : vector<128x32xf32> -> vector<32x128xf32>
    %reshape3A_138 = vector.shape_cast %transpose3A_137 : vector<32x128xf32> to vector<4x8x128xf32>
    %swap3A_139 = arith.constant 36 : index
    %swap3A_140 = arith.constant 0 : index
    %swap3A_141 = arith.constant 0 : index
    %swap3A_142 = arith.constant 0 : index
    %swap3A_143 = vector.load %arg3[%swap3A_139, %swap3A_140, %swap3A_141, %swap3A_142] : memref<100x1x8x128xf32, #tpu.memory_space<vmem>>, vector<4x1x8x128xf32>
    %swap3A_144 = vector.shape_cast %swap3A_143 : vector<4x1x8x128xf32> to vector<4x8x128xf32>
    %swap3A_145 = vector.shape_cast %reshape3A_138 : vector<4x8x128xf32> to vector<4x1x8x128xf32>
    tpu.vector_store %arg3[%swap3A_139, %swap3A_140, %swap3A_141, %swap3A_142], %swap3A_145 {strides = array<i32>} : memref<100x1x8x128xf32, #tpu.memory_space<vmem>>, vector<4x1x8x128xf32>,
    %get3A_146 = arith.constant 10 : index
    %get3A_147 = arith.constant 0 : index
    %get3A_148 = arith.constant 0 : index
    %get3A_149 = vector.load %arg2[%get3A_146, %get3A_147, %get3A_148] : memref<25x32x128xf32, #tpu.memory_space<vmem>>, vector<1x32x128xf32>
    %get3A_150 = vector.shape_cast %get3A_149 : vector<1x32x128xf32> to vector<32x128xf32>
    %reshape3A_151 = vector.shape_cast %get3A_150 : vector<32x128xf32> to vector<128x32xf32>
    %transpose3A_152 = tpu.transpose %reshape3A_151, [1, 0] : vector<128x32xf32> -> vector<32x128xf32>
    %reshape3A_153 = vector.shape_cast %transpose3A_152 : vector<32x128xf32> to vector<4x8x128xf32>
    %swap3A_154 = arith.constant 40 : index
    %swap3A_155 = arith.constant 0 : index
    %swap3A_156 = arith.constant 0 : index
    %swap3A_157 = arith.constant 0 : index
    %swap3A_158 = vector.load %arg3[%swap3A_154, %swap3A_155, %swap3A_156, %swap3A_157] : memref<100x1x8x128xf32, #tpu.memory_space<vmem>>, vector<4x1x8x128xf32>
    %swap3A_159 = vector.shape_cast %swap3A_158 : vector<4x1x8x128xf32> to vector<4x8x128xf32>
    %swap3A_160 = vector.shape_cast %reshape3A_153 : vector<4x8x128xf32> to vector<4x1x8x128xf32>
    tpu.vector_store %arg3[%swap3A_154, %swap3A_155, %swap3A_156, %swap3A_157], %swap3A_160 {strides = array<i32>} : memref<100x1x8x128xf32, #tpu.memory_space<vmem>>, vector<4x1x8x128xf32>,
    %get3A_161 = arith.constant 11 : index
    %get3A_162 = arith.constant 0 : index
    %get3A_163 = arith.constant 0 : index
    %get3A_164 = vector.load %arg2[%get3A_161, %get3A_162, %get3A_163] : memref<25x32x128xf32, #tpu.memory_space<vmem>>, vector<1x32x128xf32>
    %get3A_165 = vector.shape_cast %get3A_164 : vector<1x32x128xf32> to vector<32x128xf32>
    %reshape3A_166 = vector.shape_cast %get3A_165 : vector<32x128xf32> to vector<128x32xf32>
    %transpose3A_167 = tpu.transpose %reshape3A_166, [1, 0] : vector<128x32xf32> -> vector<32x128xf32>
    %reshape3A_168 = vector.shape_cast %transpose3A_167 : vector<32x128xf32> to vector<4x8x128xf32>
    %swap3A_169 = arith.constant 44 : index
    %swap3A_170 = arith.constant 0 : index
    %swap3A_171 = arith.constant 0 : index
    %swap3A_172 = arith.constant 0 : index
    %swap3A_173 = vector.load %arg3[%swap3A_169, %swap3A_170, %swap3A_171, %swap3A_172] : memref<100x1x8x128xf32, #tpu.memory_space<vmem>>, vector<4x1x8x128xf32>
    %swap3A_174 = vector.shape_cast %swap3A_173 : vector<4x1x8x128xf32> to vector<4x8x128xf32>
    %swap3A_175 = vector.shape_cast %reshape3A_168 : vector<4x8x128xf32> to vector<4x1x8x128xf32>
    tpu.vector_store %arg3[%swap3A_169, %swap3A_170, %swap3A_171, %swap3A_172], %swap3A_175 {strides = array<i32>} : memref<100x1x8x128xf32, #tpu.memory_space<vmem>>, vector<4x1x8x128xf32>,
    %get3A_176 = arith.constant 12 : index
    %get3A_177 = arith.constant 0 : index
    %get3A_178 = arith.constant 0 : index
    %get3A_179 = vector.load %arg2[%get3A_176, %get3A_177, %get3A_178] : memref<25x32x128xf32, #tpu.memory_space<vmem>>, vector<1x32x128xf32>
    %get3A_180 = vector.shape_cast %get3A_179 : vector<1x32x128xf32> to vector<32x128xf32>
    %reshape3A_181 = vector.shape_cast %get3A_180 : vector<32x128xf32> to vector<128x32xf32>
    %transpose3A_182 = tpu.transpose %reshape3A_181, [1, 0] : vector<128x32xf32> -> vector<32x128xf32>
    %reshape3A_183 = vector.shape_cast %transpose3A_182 : vector<32x128xf32> to vector<4x8x128xf32>
    %swap3A_184 = arith.constant 48 : index
    %swap3A_185 = arith.constant 0 : index
    %swap3A_186 = arith.constant 0 : index
    %swap3A_187 = arith.constant 0 : index
    %swap3A_188 = vector.load %arg3[%swap3A_184, %swap3A_185, %swap3A_186, %swap3A_187] : memref<100x1x8x128xf32, #tpu.memory_space<vmem>>, vector<4x1x8x128xf32>
    %swap3A_189 = vector.shape_cast %swap3A_188 : vector<4x1x8x128xf32> to vector<4x8x128xf32>
    %swap3A_190 = vector.shape_cast %reshape3A_183 : vector<4x8x128xf32> to vector<4x1x8x128xf32>
    tpu.vector_store %arg3[%swap3A_184, %swap3A_185, %swap3A_186, %swap3A_187], %swap3A_190 {strides = array<i32>} : memref<100x1x8x128xf32, #tpu.memory_space<vmem>>, vector<4x1x8x128xf32>,
    %get3A_191 = arith.constant 13 : index
    %get3A_192 = arith.constant 0 : index
    %get3A_193 = arith.constant 0 : index
    %get3A_194 = vector.load %arg2[%get3A_191, %get3A_192, %get3A_193] : memref<25x32x128xf32, #tpu.memory_space<vmem>>, vector<1x32x128xf32>
    %get3A_195 = vector.shape_cast %get3A_194 : vector<1x32x128xf32> to vector<32x128xf32>
    %reshape3A_196 = vector.shape_cast %get3A_195 : vector<32x128xf32> to vector<128x32xf32>
    %transpose3A_197 = tpu.transpose %reshape3A_196, [1, 0] : vector<128x32xf32> -> vector<32x128xf32>
    %reshape3A_198 = vector.shape_cast %transpose3A_197 : vector<32x128xf32> to vector<4x8x128xf32>
    %swap3A_199 = arith.constant 52 : index
    %swap3A_200 = arith.constant 0 : index
    %swap3A_201 = arith.constant 0 : index
    %swap3A_202 = arith.constant 0 : index
    %swap3A_203 = vector.load %arg3[%swap3A_199, %swap3A_200, %swap3A_201, %swap3A_202] : memref<100x1x8x128xf32, #tpu.memory_space<vmem>>, vector<4x1x8x128xf32>
    %swap3A_204 = vector.shape_cast %swap3A_203 : vector<4x1x8x128xf32> to vector<4x8x128xf32>
    %swap3A_205 = vector.shape_cast %reshape3A_198 : vector<4x8x128xf32> to vector<4x1x8x128xf32>
    tpu.vector_store %arg3[%swap3A_199, %swap3A_200, %swap3A_201, %swap3A_202], %swap3A_205 {strides = array<i32>} : memref<100x1x8x128xf32, #tpu.memory_space<vmem>>, vector<4x1x8x128xf32>,
    %get3A_206 = arith.constant 14 : index
    %get3A_207 = arith.constant 0 : index
    %get3A_208 = arith.constant 0 : index
    %get3A_209 = vector.load %arg2[%get3A_206, %get3A_207, %get3A_208] : memref<25x32x128xf32, #tpu.memory_space<vmem>>, vector<1x32x128xf32>
    %get3A_210 = vector.shape_cast %get3A_209 : vector<1x32x128xf32> to vector<32x128xf32>
    %reshape3A_211 = vector.shape_cast %get3A_210 : vector<32x128xf32> to vector<128x32xf32>
    %transpose3A_212 = tpu.transpose %reshape3A_211, [1, 0] : vector<128x32xf32> -> vector<32x128xf32>
    %reshape3A_213 = vector.shape_cast %transpose3A_212 : vector<32x128xf32> to vector<4x8x128xf32>
    %swap3A_214 = arith.constant 56 : index
    %swap3A_215 = arith.constant 0 : index
    %swap3A_216 = arith.constant 0 : index
    %swap3A_217 = arith.constant 0 : index
    %swap3A_218 = vector.load %arg3[%swap3A_214, %swap3A_215, %swap3A_216, %swap3A_217] : memref<100x1x8x128xf32, #tpu.memory_space<vmem>>, vector<4x1x8x128xf32>
    %swap3A_219 = vector.shape_cast %swap3A_218 : vector<4x1x8x128xf32> to vector<4x8x128xf32>
    %swap3A_220 = vector.shape_cast %reshape3A_213 : vector<4x8x128xf32> to vector<4x1x8x128xf32>
    tpu.vector_store %arg3[%swap3A_214, %swap3A_215, %swap3A_216, %swap3A_217], %swap3A_220 {strides = array<i32>} : memref<100x1x8x128xf32, #tpu.memory_space<vmem>>, vector<4x1x8x128xf32>,
    %get3A_221 = arith.constant 15 : index
    %get3A_222 = arith.constant 0 : index
    %get3A_223 = arith.constant 0 : index
    %get3A_224 = vector.load %arg2[%get3A_221, %get3A_222, %get3A_223] : memref<25x32x128xf32, #tpu.memory_space<vmem>>, vector<1x32x128xf32>
    %get3A_225 = vector.shape_cast %get3A_224 : vector<1x32x128xf32> to vector<32x128xf32>
    %reshape3A_226 = vector.shape_cast %get3A_225 : vector<32x128xf32> to vector<128x32xf32>
    %transpose3A_227 = tpu.transpose %reshape3A_226, [1, 0] : vector<128x32xf32> -> vector<32x128xf32>
    %reshape3A_228 = vector.shape_cast %transpose3A_227 : vector<32x128xf32> to vector<4x8x128xf32>
    %swap3A_229 = arith.constant 60 : index
    %swap3A_230 = arith.constant 0 : index
    %swap3A_231 = arith.constant 0 : index
    %swap3A_232 = arith.constant 0 : index
    %swap3A_233 = vector.load %arg3[%swap3A_229, %swap3A_230, %swap3A_231, %swap3A_232] : memref<100x1x8x128xf32, #tpu.memory_space<vmem>>, vector<4x1x8x128xf32>
    %swap3A_234 = vector.shape_cast %swap3A_233 : vector<4x1x8x128xf32> to vector<4x8x128xf32>
    %swap3A_235 = vector.shape_cast %reshape3A_228 : vector<4x8x128xf32> to vector<4x1x8x128xf32>
    tpu.vector_store %arg3[%swap3A_229, %swap3A_230, %swap3A_231, %swap3A_232], %swap3A_235 {strides = array<i32>} : memref<100x1x8x128xf32, #tpu.memory_space<vmem>>, vector<4x1x8x128xf32>,
    %get3A_236 = arith.constant 16 : index
    %get3A_237 = arith.constant 0 : index
    %get3A_238 = arith.constant 0 : index
    %get3A_239 = vector.load %arg2[%get3A_236, %get3A_237, %get3A_238] : memref<25x32x128xf32, #tpu.memory_space<vmem>>, vector<1x32x128xf32>
    %get3A_240 = vector.shape_cast %get3A_239 : vector<1x32x128xf32> to vector<32x128xf32>
    %reshape3A_241 = vector.shape_cast %get3A_240 : vector<32x128xf32> to vector<128x32xf32>
    %transpose3A_242 = tpu.transpose %reshape3A_241, [1, 0] : vector<128x32xf32> -> vector<32x128xf32>
    %reshape3A_243 = vector.shape_cast %transpose3A_242 : vector<32x128xf32> to vector<4x8x128xf32>
    %swap3A_244 = arith.constant 64 : index
    %swap3A_245 = arith.constant 0 : index
    %swap3A_246 = arith.constant 0 : index
    %swap3A_247 = arith.constant 0 : index
    %swap3A_248 = vector.load %arg3[%swap3A_244, %swap3A_245, %swap3A_246, %swap3A_247] : memref<100x1x8x128xf32, #tpu.memory_space<vmem>>, vector<4x1x8x128xf32>
    %swap3A_249 = vector.shape_cast %swap3A_248 : vector<4x1x8x128xf32> to vector<4x8x128xf32>
    %swap3A_250 = vector.shape_cast %reshape3A_243 : vector<4x8x128xf32> to vector<4x1x8x128xf32>
    tpu.vector_store %arg3[%swap3A_244, %swap3A_245, %swap3A_246, %swap3A_247], %swap3A_250 {strides = array<i32>} : memref<100x1x8x128xf32, #tpu.memory_space<vmem>>, vector<4x1x8x128xf32>,
    %get3A_251 = arith.constant 17 : index
    %get3A_252 = arith.constant 0 : index
    %get3A_253 = arith.constant 0 : index
    %get3A_254 = vector.load %arg2[%get3A_251, %get3A_252, %get3A_253] : memref<25x32x128xf32, #tpu.memory_space<vmem>>, vector<1x32x128xf32>
    %get3A_255 = vector.shape_cast %get3A_254 : vector<1x32x128xf32> to vector<32x128xf32>
    %reshape3A_256 = vector.shape_cast %get3A_255 : vector<32x128xf32> to vector<128x32xf32>
    %transpose3A_257 = tpu.transpose %reshape3A_256, [1, 0] : vector<128x32xf32> -> vector<32x128xf32>
    %reshape3A_258 = vector.shape_cast %transpose3A_257 : vector<32x128xf32> to vector<4x8x128xf32>
    %swap3A_259 = arith.constant 68 : index
    %swap3A_260 = arith.constant 0 : index
    %swap3A_261 = arith.constant 0 : index
    %swap3A_262 = arith.constant 0 : index
    %swap3A_263 = vector.load %arg3[%swap3A_259, %swap3A_260, %swap3A_261, %swap3A_262] : memref<100x1x8x128xf32, #tpu.memory_space<vmem>>, vector<4x1x8x128xf32>
    %swap3A_264 = vector.shape_cast %swap3A_263 : vector<4x1x8x128xf32> to vector<4x8x128xf32>
    %swap3A_265 = vector.shape_cast %reshape3A_258 : vector<4x8x128xf32> to vector<4x1x8x128xf32>
    tpu.vector_store %arg3[%swap3A_259, %swap3A_260, %swap3A_261, %swap3A_262], %swap3A_265 {strides = array<i32>} : memref<100x1x8x128xf32, #tpu.memory_space<vmem>>, vector<4x1x8x128xf32>,
    %get3A_266 = arith.constant 18 : index
    %get3A_267 = arith.constant 0 : index
    %get3A_268 = arith.constant 0 : index
    %get3A_269 = vector.load %arg2[%get3A_266, %get3A_267, %get3A_268] : memref<25x32x128xf32, #tpu.memory_space<vmem>>, vector<1x32x128xf32>
    %get3A_270 = vector.shape_cast %get3A_269 : vector<1x32x128xf32> to vector<32x128xf32>
    %reshape3A_271 = vector.shape_cast %get3A_270 : vector<32x128xf32> to vector<128x32xf32>
    %transpose3A_272 = tpu.transpose %reshape3A_271, [1, 0] : vector<128x32xf32> -> vector<32x128xf32>
    %reshape3A_273 = vector.shape_cast %transpose3A_272 : vector<32x128xf32> to vector<4x8x128xf32>
    %swap3A_274 = arith.constant 72 : index
    %swap3A_275 = arith.constant 0 : index
    %swap3A_276 = arith.constant 0 : index
    %swap3A_277 = arith.constant 0 : index
    %swap3A_278 = vector.load %arg3[%swap3A_274, %swap3A_275, %swap3A_276, %swap3A_277] : memref<100x1x8x128xf32, #tpu.memory_space<vmem>>, vector<4x1x8x128xf32>
    %swap3A_279 = vector.shape_cast %swap3A_278 : vector<4x1x8x128xf32> to vector<4x8x128xf32>
    %swap3A_280 = vector.shape_cast %reshape3A_273 : vector<4x8x128xf32> to vector<4x1x8x128xf32>
    tpu.vector_store %arg3[%swap3A_274, %swap3A_275, %swap3A_276, %swap3A_277], %swap3A_280 {strides = array<i32>} : memref<100x1x8x128xf32, #tpu.memory_space<vmem>>, vector<4x1x8x128xf32>,
    %get3A_281 = arith.constant 19 : index
    %get3A_282 = arith.constant 0 : index
    %get3A_283 = arith.constant 0 : index
    %get3A_284 = vector.load %arg2[%get3A_281, %get3A_282, %get3A_283] : memref<25x32x128xf32, #tpu.memory_space<vmem>>, vector<1x32x128xf32>
    %get3A_285 = vector.shape_cast %get3A_284 : vector<1x32x128xf32> to vector<32x128xf32>
    %reshape3A_286 = vector.shape_cast %get3A_285 : vector<32x128xf32> to vector<128x32xf32>
    %transpose3A_287 = tpu.transpose %reshape3A_286, [1, 0] : vector<128x32xf32> -> vector<32x128xf32>
    %reshape3A_288 = vector.shape_cast %transpose3A_287 : vector<32x128xf32> to vector<4x8x128xf32>
    %swap3A_289 = arith.constant 76 : index
    %swap3A_290 = arith.constant 0 : index
    %swap3A_291 = arith.constant 0 : index
    %swap3A_292 = arith.constant 0 : index
    %swap3A_293 = vector.load %arg3[%swap3A_289, %swap3A_290, %swap3A_291, %swap3A_292] : memref<100x1x8x128xf32, #tpu.memory_space<vmem>>, vector<4x1x8x128xf32>
    %swap3A_294 = vector.shape_cast %swap3A_293 : vector<4x1x8x128xf32> to vector<4x8x128xf32>
    %swap3A_295 = vector.shape_cast %reshape3A_288 : vector<4x8x128xf32> to vector<4x1x8x128xf32>
    tpu.vector_store %arg3[%swap3A_289, %swap3A_290, %swap3A_291, %swap3A_292], %swap3A_295 {strides = array<i32>} : memref<100x1x8x128xf32, #tpu.memory_space<vmem>>, vector<4x1x8x128xf32>,
    %get3A_296 = arith.constant 20 : index
    %get3A_297 = arith.constant 0 : index
    %get3A_298 = arith.constant 0 : index
    %get3A_299 = vector.load %arg2[%get3A_296, %get3A_297, %get3A_298] : memref<25x32x128xf32, #tpu.memory_space<vmem>>, vector<1x32x128xf32>
    %get3A_300 = vector.shape_cast %get3A_299 : vector<1x32x128xf32> to vector<32x128xf32>
    %reshape3A_301 = vector.shape_cast %get3A_300 : vector<32x128xf32> to vector<128x32xf32>
    %transpose3A_302 = tpu.transpose %reshape3A_301, [1, 0] : vector<128x32xf32> -> vector<32x128xf32>
    %reshape3A_303 = vector.shape_cast %transpose3A_302 : vector<32x128xf32> to vector<4x8x128xf32>
    %swap3A_304 = arith.constant 80 : index
    %swap3A_305 = arith.constant 0 : index
    %swap3A_306 = arith.constant 0 : index
    %swap3A_307 = arith.constant 0 : index
    %swap3A_308 = vector.load %arg3[%swap3A_304, %swap3A_305, %swap3A_306, %swap3A_307] : memref<100x1x8x128xf32, #tpu.memory_space<vmem>>, vector<4x1x8x128xf32>
    %swap3A_309 = vector.shape_cast %swap3A_308 : vector<4x1x8x128xf32> to vector<4x8x128xf32>
    %swap3A_310 = vector.shape_cast %reshape3A_303 : vector<4x8x128xf32> to vector<4x1x8x128xf32>
    tpu.vector_store %arg3[%swap3A_304, %swap3A_305, %swap3A_306, %swap3A_307], %swap3A_310 {strides = array<i32>} : memref<100x1x8x128xf32, #tpu.memory_space<vmem>>, vector<4x1x8x128xf32>,
    %get3A_311 = arith.constant 21 : index
    %get3A_312 = arith.constant 0 : index
    %get3A_313 = arith.constant 0 : index
    %get3A_314 = vector.load %arg2[%get3A_311, %get3A_312, %get3A_313] : memref<25x32x128xf32, #tpu.memory_space<vmem>>, vector<1x32x128xf32>
    %get3A_315 = vector.shape_cast %get3A_314 : vector<1x32x128xf32> to vector<32x128xf32>
    %reshape3A_316 = vector.shape_cast %get3A_315 : vector<32x128xf32> to vector<128x32xf32>
    %transpose3A_317 = tpu.transpose %reshape3A_316, [1, 0] : vector<128x32xf32> -> vector<32x128xf32>
    %reshape3A_318 = vector.shape_cast %transpose3A_317 : vector<32x128xf32> to vector<4x8x128xf32>
    %swap3A_319 = arith.constant 84 : index
    %swap3A_320 = arith.constant 0 : index
    %swap3A_321 = arith.constant 0 : index
    %swap3A_322 = arith.constant 0 : index
    %swap3A_323 = vector.load %arg3[%swap3A_319, %swap3A_320, %swap3A_321, %swap3A_322] : memref<100x1x8x128xf32, #tpu.memory_space<vmem>>, vector<4x1x8x128xf32>
    %swap3A_324 = vector.shape_cast %swap3A_323 : vector<4x1x8x128xf32> to vector<4x8x128xf32>
    %swap3A_325 = vector.shape_cast %reshape3A_318 : vector<4x8x128xf32> to vector<4x1x8x128xf32>
    tpu.vector_store %arg3[%swap3A_319, %swap3A_320, %swap3A_321, %swap3A_322], %swap3A_325 {strides = array<i32>} : memref<100x1x8x128xf32, #tpu.memory_space<vmem>>, vector<4x1x8x128xf32>,
    %get3A_326 = arith.constant 22 : index
    %get3A_327 = arith.constant 0 : index
    %get3A_328 = arith.constant 0 : index
    %get3A_329 = vector.load %arg2[%get3A_326, %get3A_327, %get3A_328] : memref<25x32x128xf32, #tpu.memory_space<vmem>>, vector<1x32x128xf32>
    %get3A_330 = vector.shape_cast %get3A_329 : vector<1x32x128xf32> to vector<32x128xf32>
    %reshape3A_331 = vector.shape_cast %get3A_330 : vector<32x128xf32> to vector<128x32xf32>
    %transpose3A_332 = tpu.transpose %reshape3A_331, [1, 0] : vector<128x32xf32> -> vector<32x128xf32>
    %reshape3A_333 = vector.shape_cast %transpose3A_332 : vector<32x128xf32> to vector<4x8x128xf32>
    %swap3A_334 = arith.constant 88 : index
    %swap3A_335 = arith.constant 0 : index
    %swap3A_336 = arith.constant 0 : index
    %swap3A_337 = arith.constant 0 : index
    %swap3A_338 = vector.load %arg3[%swap3A_334, %swap3A_335, %swap3A_336, %swap3A_337] : memref<100x1x8x128xf32, #tpu.memory_space<vmem>>, vector<4x1x8x128xf32>
    %swap3A_339 = vector.shape_cast %swap3A_338 : vector<4x1x8x128xf32> to vector<4x8x128xf32>
    %swap3A_340 = vector.shape_cast %reshape3A_333 : vector<4x8x128xf32> to vector<4x1x8x128xf32>
    tpu.vector_store %arg3[%swap3A_334, %swap3A_335, %swap3A_336, %swap3A_337], %swap3A_340 {strides = array<i32>} : memref<100x1x8x128xf32, #tpu.memory_space<vmem>>, vector<4x1x8x128xf32>,
    %get3A_341 = arith.constant 23 : index
    %get3A_342 = arith.constant 0 : index
    %get3A_343 = arith.constant 0 : index
    %get3A_344 = vector.load %arg2[%get3A_341, %get3A_342, %get3A_343] : memref<25x32x128xf32, #tpu.memory_space<vmem>>, vector<1x32x128xf32>
    %get3A_345 = vector.shape_cast %get3A_344 : vector<1x32x128xf32> to vector<32x128xf32>
    %reshape3A_346 = vector.shape_cast %get3A_345 : vector<32x128xf32> to vector<128x32xf32>
    %transpose3A_347 = tpu.transpose %reshape3A_346, [1, 0] : vector<128x32xf32> -> vector<32x128xf32>
    %reshape3A_348 = vector.shape_cast %transpose3A_347 : vector<32x128xf32> to vector<4x8x128xf32>
    %swap3A_349 = arith.constant 92 : index
    %swap3A_350 = arith.constant 0 : index
    %swap3A_351 = arith.constant 0 : index
    %swap3A_352 = arith.constant 0 : index
    %swap3A_353 = vector.load %arg3[%swap3A_349, %swap3A_350, %swap3A_351, %swap3A_352] : memref<100x1x8x128xf32, #tpu.memory_space<vmem>>, vector<4x1x8x128xf32>
    %swap3A_354 = vector.shape_cast %swap3A_353 : vector<4x1x8x128xf32> to vector<4x8x128xf32>
    %swap3A_355 = vector.shape_cast %reshape3A_348 : vector<4x8x128xf32> to vector<4x1x8x128xf32>
    tpu.vector_store %arg3[%swap3A_349, %swap3A_350, %swap3A_351, %swap3A_352], %swap3A_355 {strides = array<i32>} : memref<100x1x8x128xf32, #tpu.memory_space<vmem>>, vector<4x1x8x128xf32>,
    %get3A_356 = arith.constant 24 : index
    %get3A_357 = arith.constant 0 : index
    %get3A_358 = arith.constant 0 : index
    %get3A_359 = vector.load %arg2[%get3A_356, %get3A_357, %get3A_358] : memref<25x32x128xf32, #tpu.memory_space<vmem>>, vector<1x32x128xf32>
    %get3A_360 = vector.shape_cast %get3A_359 : vector<1x32x128xf32> to vector<32x128xf32>
    %reshape3A_361 = vector.shape_cast %get3A_360 : vector<32x128xf32> to vector<128x32xf32>
    %transpose3A_362 = tpu.transpose %reshape3A_361, [1, 0] : vector<128x32xf32> -> vector<32x128xf32>
    %reshape3A_363 = vector.shape_cast %transpose3A_362 : vector<32x128xf32> to vector<4x8x128xf32>
    %swap3A_364 = arith.constant 96 : index
    %swap3A_365 = arith.constant 0 : index
    %swap3A_366 = arith.constant 0 : index
    %swap3A_367 = arith.constant 0 : index
    %swap3A_368 = vector.load %arg3[%swap3A_364, %swap3A_365, %swap3A_366, %swap3A_367] : memref<100x1x8x128xf32, #tpu.memory_space<vmem>>, vector<4x1x8x128xf32>
    %swap3A_369 = vector.shape_cast %swap3A_368 : vector<4x1x8x128xf32> to vector<4x8x128xf32>
    %swap3A_370 = vector.shape_cast %reshape3A_363 : vector<4x8x128xf32> to vector<4x1x8x128xf32>
    tpu.vector_store %arg3[%swap3A_364, %swap3A_365, %swap3A_366, %swap3A_367], %swap3A_370 {strides = array<i32>} : memref<100x1x8x128xf32, #tpu.memory_space<vmem>>, vector<4x1x8x128xf32>,
    return
  }
  func.func @transform_0(%arg0: i32, %arg1: i32) -> (i32, i32, i32) {
    %mul3A = arith.constant 8 : i32
    %mul3A_0 = arith.muli %arg0, %mul3A : i32
    %add3A = arith.addi %mul3A_0, %arg1 : i32
    %c0_i32 = arith.constant 0 : i32
    %c0_i32_1 = arith.constant 0 : i32
    %c0_i32_2 = arith.constant 0 : i32
    return %add3A, %c0_i32, %c0_i32_1 : i32, i32, i32
  }
  func.func @transform_1(%arg0: i32, %arg1: i32) -> (i32, i32, i32, i32) {
    %c0_i32 = arith.constant 0 : i32
    %c0_i32_0 = arith.constant 0 : i32
    %c0_i32_1 = arith.constant 0 : i32
    return %arg1, %arg0, %c0_i32, %c0_i32_0 : i32, i32, i32, i32
  }
}

</mosaic_0001>

<sc_bundles>
// kernel: kernel.4.cloned.1.call-start
scs
__scs_entry_jumppad:
0x0: {  	(pc) =	sbr.rel $0x88, $3  }
0x1: {  	(tag) =	ssettag $0x0;
	lr =	simm.s32 $0x1  }
0x2: {  	[smem:$0x3F9F] =	sst lr;
	_ =	strace $0xD0000000  }
0x3: {  	_ = 	snop  }
0x4: {  	_ = 	snop  }
0x5: {  	_ = 	snop  }
0x6: {  	_ = 	snop  }
0x7: {  	_ = 	snop  }
__scs_overlays_trampoline_lowered:
0x8: {  	[smem:$0x3FAE] =	sst s0  }
0x9: {  	[smem:$0x3FAF] =	sst s1  }
0xa: {  	[smem:$0x3FB0] =	sst s2  }
0xb: {  	[smem:$0x3FB1] =	sst s3  }
0xc: {  	[smem:$0x3FB2] =	sst s4  }
0xd: {  	[smem:$0x3FB3] =	sst s5  }
0xe: {  	[smem:$0x3FB4] =	sst s6  }
0xf: {  	[smem:$0x3FB5] =	sst s7  }
0x10: {  	[smem:$0x3FB6] =	sst s8  }
0x11: {  	[smem:$0x3FB7] =	sst s9;
	s0 =	simm.s32 @!p0 $0x0  }
0x12: {  	s1 =	sld [smem:$0x3F9D];
	s0 =	simm.s32 @p0 $0x1  }
0x13: {  	[smem:$0x3FB8] =	sst s0;
	s0 =	simm.s32 @!p1 $0x0  }
0x14: {  	s2 =	sld [smem:$0x3F9C];
	s0 =	simm.s32 @p1 $0x1  }
0x15: {  	[smem:$0x3FB9] =	sst s0;
	s0 =	simm.s32 @!p2 $0x0  }
0x16: {  	s3 =	sld [smem:$0x3FDB];
	s0 =	simm.s32 @p2 $0x1  }
0x17: {  	s4 =	simm.s32 $0x1BF5;
	[smem:$0x3FBB] =	sst s0  }
0x18: {  	s0 =	sld [smem:$0x3F9E];
	_ =	swait.ge [sflag:s4], $0x0  }
0x19: {  	s7 =	sld [smem:$0x3F9F]  }
0x1a: {  	s8 =	sadd.s32 $0xFFFFE003, lr  }
0x1b: {  	s9 =	sadd.s32 $0xFFFFFEF7, lr;
	s5 =	simm.s32 $0xFFFFFFFF;
	p2 =	slt.u32 s8, $0xFFFFF086  }
0x1c: {  	p1 =	slt.u32 s9, $0xF7A;
	s5 =	simm.s32 @!p2 $0x0  }
0x1d: {  	s5 =	simm.s32 @p1 $0x1;
	p0 =	seq.s32 s7, s2  }
0x1e: {  	s7 =	smul.u32 @!p0 $0xF7A, s2;
	p2 =	seq.s32 @!p0 s5, $0x0  }
0x1f: {  	s9 =	smul.u32 $0xF7A, s1;
	s8 =	simm.s32 @!p0 $0x1BF5;
	p2 =	por !p2, p0  }
0x20: {  	[sflag:s8] =	ssyncset.s32 @!p0 $0xFFFFF086;
	s6 =	sadd.s32 @!p0 s3, s7;
	s7 =	simm.s32 @!p0 $0x108  }
0x21: {  	s3 =	sadd.s32 s3, s9;
	s6 =	sadd.s32 @!p0 $0x88, s6;
	s7 =	simm.s32 @p2 $0x1082  }
0x22: {  	[simem:s7], [sflag:s8] =	dma.local @!p0 [hbm:s6], $0xF7A  }
0x23: {  	s9 =	sor.u32 $0xD0000000, s2;
	s6 =	simm.s32 $0x108;
	_ =	swait.ge @!p0 [sflag:s8], $0x0  }
0x24: {  	s3 =	sadd.s32 $0x88, s3;
	s6 =	simm.s32 @!p1 $0x1082;
	[sflag:s4] =	ssyncset.s32 $0xFFFFF086  }
0x25: {  	[simem:s6], [sflag:s4] =	dma.local [hbm:s3], $0xF7A  }
0x26: {  	[smem:$0x3F9F] =	sst s1;
	(tag) =	ssettag s2;
	_ =	strace s9  }
0x27: {  	s1 =	sld [smem:$0x3FAF]  }
0x28: {  	s2 =	sld [smem:$0x3FB0]  }
0x29: {  	s4 =	sld [smem:$0x3FB2]  }
0x2a: {  	p0 =	seq.s32 s5, $0x0;
	s5 =	sld [smem:$0x3FB3]  }
0x2b: {  	s6 =	sld [smem:$0x3FB4]  }
0x2c: {  	s7 =	sld [smem:$0x3FB5]  }
0x2d: {  	s3 =	simm.s32 $0x108;
	s8 =	sld [smem:$0x3FB6]  }
0x2e: {  	s3 =	simm.s32 @!p0 $0x1082;
	s9 =	sld [smem:$0x3FB7]  }
0x2f: {  	lr =	sadd.s32 s0, s3;
	s0 =	sld [smem:$0x3FAE]  }
0x30: {  	s3 =	sld [smem:$0x3FB1]  }
0x31: {  	[smem:$0x3FBA] =	sst s10  }
0x32: {  	s10 =	sld [smem:$0x3FB8];
	_ =	sdelay $0x3  }
0x33: {  	p0 =	seq.s32 s10, $0x1;
	s10 =	sld [smem:$0x3FBA];
	_ =	sdelay $0x3  }
0x34: {  	[smem:$0x3FBA] =	sst s10  }
0x35: {  	s10 =	sld [smem:$0x3FB9];
	_ =	sdelay $0x3  }
0x36: {  	p1 =	seq.s32 s10, $0x1;
	s10 =	sld [smem:$0x3FBA];
	_ =	sdelay $0x3  }
0x37: {  	[smem:$0x3FBA] =	sst s10  }
0x38: {  	s10 =	sld [smem:$0x3FBB]  }
0x39: {  	_ = 	snop;
	(pc) =	sbr.ind lr, $3  }
0x3a: {  	_ = 	snop  }
0x3b: {  	_ = 	snop  }
0x3c: {  	p2 =	seq.s32 s10, $0x1;
	s10 =	sld [smem:$0x3FBA]  }
0x3d: {  	_ =	shalt  }
0x3e: {  	_ =	shalt  }
0x3f: {  	_ =	shalt  }
0x40: {  	_ =	shalt  }
0x41: {  	_ =	shalt  }
0x42: {  	_ =	shalt  }
0x43: {  	_ =	shalt  }
0x44: {  	_ =	shalt  }
0x45: {  	_ =	shalt  }
0x46: {  	_ =	shalt  }
0x47: {  	_ =	shalt  }
0x48: {  	_ =	shalt  }
0x49: {  	_ =	shalt  }
0x4a: {  	_ =	shalt  }
0x4b: {  	_ =	shalt  }
0x4c: {  	_ =	shalt  }
0x4d: {  	_ =	shalt  }
0x4e: {  	_ =	shalt  }
0x4f: {  	_ =	shalt  }
0x50: {  	_ =	shalt  }
0x51: {  	_ =	shalt  }
0x52: {  	_ =	shalt  }
0x53: {  	_ =	shalt  }
0x54: {  	_ =	shalt  }
0x55: {  	_ =	shalt  }
0x56: {  	_ =	shalt  }
0x57: {  	_ =	shalt  }
0x58: {  	_ =	shalt  }
0x59: {  	_ =	shalt  }
0x5a: {  	_ =	shalt  }
0x5b: {  	_ =	shalt  }
0x5c: {  	_ =	shalt  }
0x5d: {  	_ =	shalt  }
0x5e: {  	_ =	shalt  }
0x5f: {  	_ =	shalt  }
0x60: {  	_ =	shalt  }
0x61: {  	_ =	shalt  }
0x62: {  	_ =	shalt  }
0x63: {  	_ =	shalt  }
0x64: {  	_ =	shalt  }
0x65: {  	_ =	shalt  }
0x66: {  	_ =	shalt  }
0x67: {  	_ =	shalt  }
0x68: {  	_ =	shalt  }
0x69: {  	_ =	shalt  }
0x6a: {  	_ =	shalt  }
0x6b: {  	_ =	shalt  }
0x6c: {  	_ =	shalt  }
0x6d: {  	_ =	shalt  }
0x6e: {  	_ =	shalt  }
0x6f: {  	_ =	shalt  }
0x70: {  	_ =	shalt  }
0x71: {  	_ =	shalt  }
0x72: {  	_ =	shalt  }
0x73: {  	_ =	shalt  }
0x74: {  	_ =	shalt  }
0x75: {  	_ =	shalt  }
0x76: {  	_ =	shalt  }
0x77: {  	_ =	shalt  }
0x78: {  	_ =	shalt  }
0x79: {  	_ =	shalt  }
0x7a: {  	_ =	shalt  }
0x7b: {  	_ =	shalt  }
0x7c: {  	_ =	shalt  }
0x7d: {  	_ =	shalt  }
0x7e: {  	_ =	shalt  }
0x7f: {  	_ =	shalt  }
0x80: {  	_ =	shalt  }
0x81: {  	_ =	shalt  }
0x82: {  	_ =	shalt  }
0x83: {  	_ =	shalt  }
0x84: {  	_ =	shalt  }
0x85: {  	_ =	shalt  }
0x86: {  	_ =	shalt  }
0x87: {  	_ =	shalt  }
.Lfunc_end0:
.L_simem_size_0:
called_computation_lowered:
.L_overlay_start_0:
0x88: {  	s2 =	sld [smem:$0x3FD9]  }
0x89: {  	s3 =	sld [smem:$0x3FFE];
	_ =	sdelay $0x1  }
0x8a: {  	s1 =	srdreg.scid  }
0x8b: {  	s0 =	sand.u32 $0x1, s1  }
0x8c: {  	s17 =	sshll.u32 s0, $0xA;
	s2 =	sadd.s32 s3, s2  }
0x8d: {  	s2 =	sadd.s32 s2, s17  }
0x8e: {  	[smem:$0x3FC6] =	sst s2  }
0x8f: {  	_ = 	snop  }
0x90: {  	s2 =	sld [smem:$0x3FD0];
	(tm) =	ssettm $0x1  }
0x91: {  	s18 =	sld [smem:$0x3FFB];
	_ =	sdelay $0x3  }
0x92: {  	_ =	strace s18  }
0x93: {  	s3 =	sld [smem:$0x3FFC];
	_ =	sdelay $0x3  }
0x94: {  	_ =	strace s3  }
0x95: {  	s3 =	sld [smem:$0x3FFD];
	_ =	sdelay $0x3  }
0x96: {  	_ =	strace s3  }
0x97: {  	_ =	strace $0x8FFFFFFF  }
0x98: {  	s19 =	sld [smem:$0x3FDB];
	_ =	sdelay $0x1  }
0x99: {  	s4 =	simm.s32 $_scs_section_size  }
0x9a: {  	s5 =	simm.s32 $_size__tile_overlayer_lowered;
	s6 =	simm.s32 $_tile_overlayer_lowered  }
0x9b: {  	s22 =	simm.s32 $0x1BFF;
	s21 =	sshll.u32 s6, $0x1;
	s3 =	sadd.s32 s4, s19  }
0x9c: {  	s7 =	simm.s32 $0x0;
	s20 =	sshll.u32 s5, $0x1;
	s5 =	sadd.s32 s21, s3  }
0x9d: {  	[timem:s7], [sflag:s22] =	dma.local [hbm:s5], s20  }
0x9e: {  	_ =	swait.ge [sflag:s22], s20  }
0x9f: {  	s4 =	ssub.s32 $0x0, s20;
	[sflag:s22] =	ssyncset.done $0x0  }
0xa0: {  	[sflag:s22] =	ssyncadd.s32 s4;
	_ =	sdelay $0x1  }
0xa1: {  	s23 =	simm.s32 $0x1B8B  }
0xa2: {  	_ =	swait.ge [sflag:s23], $0x1  }
0xa3: {  	[sflag:s23] =	ssyncset.done $0x0  }
0xa4: {  	s25 =	simm.s32 $0x1B8E;
	s24 =	sld [smem:$0x3FFE];
	[sflag:s23] =	ssyncadd.s32 $0xFFFFFFFF  }
0xa5: {  	s26 =	simm.s32 $execute0_lowered;
	[smem:$0x3FD2] =	sst s25  }
0xa6: {  	s5 =	sshll.u32 s26, $0x1;
	_ =	strace $0x80000046;
	[dreg:$0x1] =	wrdreg $0xFFFFFFFF  }
0xa7: {  	s28 =	simm.s32 $_size_execute0_lowered;
	s3 =	sadd.s32 s3, s5;
	[dreg:$0x0] =	wrdreg $0x0  }
0xa8: {  	s5 =	sshll.u32 s28, $0x1;
	[dreg:$0x2] =	wrdreg s3  }
0xa9: {  	[dreg:$0x3] =	wrdreg s5  }
0xaa: {  	[dreg:$0x4] =	wrdreg $0xC0  }
0xab: {  	_ =	task [dreg:s7], $0x5FFFF  }
0xac: {  	[dreg:$0x1] =	wrdreg $0xFFFFFFFF  }
0xad: {  	[dreg:$0x0] =	wrdreg $0x60  }
0xae: {  	[dreg:$0x2] =	wrdreg s2  }
0xaf: {  	[dreg:$0x3] =	wrdreg s24  }
0xb0: {  	[dreg:$0x4] =	wrdreg $0x9  }
0xb1: {  	_ =	task.clear_ibuf [dreg:s7], $0x5FFFF;
	_ =	strace $0x90000046  }
0xb2: {  	s29 =	simm.s32 $0x9;
	_ =	strace $0x80000048  }
0xb3: {  	_ =	swait.ge [sflag:s29], $0x1  }
0xb4: {  	[sflag:s29] =	ssyncadd.s32 $0xFFFFFFFF  }
0xb5: {  	_ =	strace $0x90000048  }
0xb6: {  	_ =	sfence  }
0xb7: {  	s30 =	sld [smem:$0x0];
	_ =	sdelay $0x2  }
0xb8: {  	s31 =	sshll.u32 s1, $0xD;
	s1 =	sshrl.u32 s1, $0x2  }
0xb9: {  	s3 =	sand.u32 $0x4000, s31;
	s1 =	sadd.s32 s1, s30  }
0xba: {  	s0 =	sor.u32 s3, s0;
	s1 =	sshll.u32 s1, $0x11  }
0xbb: {  	s0 =	sor.u32 s1, s0  }
0xbc: {  	s0 =	sadd.s32 $0x8F2B, s0  }
0xbd: {  	[sflag:s0] =	ssyncadd.remote.s32 $0x1  }
0xbe: {  	_ =	sfence.sel $0xFFFF  }
0xbf: {  	[dreg:$0x0] =	wrdreg $0xFFFFFFFF;
	(pc) =	sbr.abs _section_cstart, $3  }
0xc0: {  	[dreg:$0x1] =	wrdreg $0xFFFFFFFF  }
0xc1: {  	_ =	task.clear_ibuf [dreg:s7], $0x2FFFF;
	_ =	strace $0x9FFFFFFF  }
0xc2: {  	(tm) =	ssettm $0x7FFFFFFF  }
0xc3: {  	_ =	shalt  }
tec
execute0_lowered:
.L_overlay_start_1:
0x0: {  	(tag) =	ssettag $0x1  }
0x1: {  	s0 =	rddreg [dreg:$0x0]  }
0x2: {  	s1 =	rddreg [dreg:$0x1];
	s3 =	srdreg.scid  }
0x3: {  	s10 =	stileid.u32;
	s2 =	simm.s32 $0x0;
	s28 =	simm.s32 $0x1000  }
0x4: {  	s29 =	simm.s32 $0x5;
	s30 =	simm.s32 $0x2;
	s8 =	smul.u32 $0xC800, s10  }
0x5: {  	s31 =	simm.s32 $0x6;
	s4 =	sand.u32 $0x1, s3;
	s18 =	smul.u32 $0x190000, s10  }
0x6: {  	s22 =	sshll.u32 s10, $0x1;
	[smem:$0x7FF] =	sst s2;
	s23 =	smul.u32 $0x6400, s4  }
0x7: {  	s5 =	sor.u32 s4, s22;
	s7 =	ssub.s32 $0x2, s4;
	s4 =	smul.u32 $0xC8000, s4  }
0x8: {  	s3 =	sadd.s32 $0xF42A00, s1;
	s1 =	sadd.s32 $0x600, s1;
	s6 =	smul.u32 $0x6400, s5  }
0x9: {  	_ =	strace $0x80000047;
	s5 =	smul.u32 $0x19000, s5;
	s9 =	sshrl.u32 s7, $0x1  }
0xa: {  	s7 =	ssub.s32 s7, s9;
	s4 =	sadd.s32 s4, s18;
	s18 =	simm.s32 $0xC8  }
0xb: {  	s6 =	sshrl.u32 s6, $0x3;
	s5 =	sadd.s32 s5, s1;
	s7 =	smax.u32 s7, $0x1  }
0xc: {  	s21 =	sor.u32 $0x60, s4;
	s11 =	sadd.s32 s0, s6;
	[dreg:$0xf] =	wrdreg s7  }
0xd: {  	s6 =	sadd.s32 s23, s8;
	s12 =	sadd.s32 $0x1F4, s5;
	[dreg:$0x7] =	wrdreg s11  }
0xe: {  	s14 =	sadd.s32 $0x1F8, s5;
	s22 =	sshrl.u32 s21, $0x3;
	[dreg:$0xc] =	wrdreg s12  }
0xf: {  	s23 =	sor.u32 $0x40, s4;
	s24 =	sadd.s32 $0x19, s11;
	[dreg:$0xd] =	wrdreg s14  }
0x10: {  	s21 =	simm.s32 $0x190;
	s25 =	sadd.s32 $0x32, s11;
	[dreg:$0x8] =	wrdreg s24  }
0x11: {  	s7 =	simm.s32 $0x0;
	s26 =	sadd.s32 $0x4B, s11;
	[dreg:$0x9] =	wrdreg s25  }
0x12: {  	s11 =	sadd.s32 $0x1F0, s5;
	s13 =	sadd.s32 $0x578, s6;
	[dreg:$0xa] =	wrdreg s26  }
0x13: {  	s5 =	sadd.s32 $0x1FC, s5;
	s16 =	sadd.s32 $0x4B0, s6;
	[dreg:$0xb] =	wrdreg s11  }
0x14: {  	s19 =	sor.u32 $0x3E8, s6;
	s6 =	sor.u32 $0x320, s6;
	[dreg:$0xe] =	wrdreg s5  }
0x15: {  	s15 =	sshrl.u32 s13, $0x3;
	s17 =	sshrl.u32 s16, $0x3;
	s20 =	sshrl.u32 s19, $0x3  }
0x16: {  	s6 =	sshrl.u32 s6, $0x3;
	s24 =	sshrl.u32 s23, $0x3;
	s25 =	sor.u32 $0x20, s4  }
0x17: {  	s4 =	sshrl.u32 s4, $0x3;
	s19 =	simm.s32 $0x320;
	s23 =	simm.s32 $0x258  }
0x18: {  	s5 =	sadd.s32 s15, s0;
	s14 =	sadd.s32 s24, s1;
	s26 =	sshrl.u32 s25, $0x3  }
0x19: {  	s16 =	sadd.s32 s4, s1;
	s24 =	simm.s32 $0x4E20;
	s25 =	simm.s32 $0x1  }
0x1a: {  	[dreg:$0x3] =	wrdreg s5;
	s5 =	sadd.s32 s17, s0;
	s15 =	sadd.s32 s26, s1  }
0x1b: {  	s17 =	simm.s32 $0x9;
	[dreg:$0x4] =	wrdreg s5;
	s5 =	sadd.s32 s20, s0  }
0x1c: {  	s26 =	simm.s32 $0x20;
	s0 =	sadd.s32 s6, s0;
	[dreg:$0x5] =	wrdreg s5  }
0x1d: {  	s20 =	simm.s32 $0x1C20;
	s6 =	simm.s32 $0x8;
	[dreg:$0x6] =	wrdreg s0  }
0x1e: {  	s0 =	sadd.s32 s22, s1;
	s22 =	simm.s32 $0x3520;
	s1 =	simm.s32 $0x7  }
0x1f: {  	s5 =	simm.s32 $0x4;
	[dreg:$0x10] =	wrdreg s0;
	s0 =	simm.s32 $0x3  }
.LBB2_1:
0x20: {  	s4 =	rddreg [dreg:$0x7]  }
0x21: {  	[tilespmem:s2], [sflag:$0x9] =	stream.linear.gather [hbm4b:s4+s2], $0xC8, $0x38;
	[tilespmem:$0x6720] =	vst v63  }
0x22: {  	_ =	swait.ge [sflag:s17], $0xC8  }
0x23: {  	[sflag:s17] =	ssyncset.done $0x0  }
0x24: {  	[sflag:s17] =	ssyncadd.s32 $0xFFFFFF38  }
0x25: {  	[tilespmem:s19], [sflag:$0x1] =	stream.indirect.gather [hbm4b:s3+s18], $0x20, s2, s18, $0xb8;
	[tilespmem:$0x6720] =	vst v63  }
0x26: {  	s13 =	rddreg [dreg:$0x8]  }
0x27: {  	[tilespmem:s18], [sflag:$0x9] =	stream.linear.gather [hbm4b:s13+s2], $0xC8, $0x38;
	[tilespmem:$0x6720] =	vst v63  }
0x28: {  	_ =	swait.ge [sflag:s17], $0xC8  }
0x29: {  	[sflag:s17] =	ssyncset.done $0x0  }
0x2a: {  	[sflag:s17] =	ssyncadd.s32 $0xFFFFFF38  }
0x2b: {  	[tilespmem:s20], [sflag:$0x2] =	stream.indirect.gather [hbm4b:s3+s18], $0x20, s18, s18, $0xb8;
	[tilespmem:$0x6720] =	vst v63  }
0x2c: {  	s8 =	rddreg [dreg:$0x9]  }
0x2d: {  	[tilespmem:s21], [sflag:$0x9] =	stream.linear.gather [hbm4b:s8+s2], $0xC8, $0x38;
	[tilespmem:$0x6720] =	vst v63  }
0x2e: {  	_ =	swait.ge [sflag:s17], $0xC8  }
0x2f: {  	[sflag:s17] =	ssyncset.done $0x0  }
0x30: {  	[sflag:s17] =	ssyncadd.s32 $0xFFFFFF38  }
0x31: {  	[tilespmem:s22], [sflag:$0x3] =	stream.indirect.gather [hbm4b:s3+s18], $0x20, s21, s18, $0xb8;
	[tilespmem:$0x6720] =	vst v63  }
0x32: {  	s9 =	rddreg [dreg:$0xa]  }
0x33: {  	[tilespmem:s23], [sflag:$0x9] =	stream.linear.gather [hbm4b:s9+s2], $0xC8, $0x38;
	[tilespmem:$0x6720] =	vst v63  }
0x34: {  	_ =	swait.ge [sflag:s17], $0xC8  }
0x35: {  	[sflag:s17] =	ssyncset.done $0x0  }
0x36: {  	[sflag:s17] =	ssyncadd.s32 $0xFFFFFF38  }
0x37: {  	[tilespmem:s24], [sflag:$0x4] =	stream.indirect.gather [hbm4b:s3+s18], $0x20, s23, s18, $0xb8;
	[tilespmem:$0x6720] =	vst v63  }
0x38: {  	_ =	swait.ge [sflag:s25], $0x1900  }
0x39: {  	[sflag:s25] =	ssyncset.done $0x0  }
0x3a: {  	s10 =	rddreg [dreg:$0x6];
	[sflag:s25] =	ssyncadd.s32 $0xFFFFE700  }
0x3b: {  	[hbm4b:s16+s26] =	stream.strided.scatter [tilespmem:s19], [sflag:$0x5], $0x1900, s28, s26, $0x38;
	[tilespmem:$0x6720] =	vst v63  }
0x3c: {  	s4 =	sadd.s32 $0x0, s10  }
0x3d: {  	[tilespmem:s2], [sflag:$0x9] =	stream.linear.gather [hbm4b:s4+s2], $0xC8, $0x38;
	[tilespmem:$0x6720] =	vst v63  }
0x3e: {  	_ =	swait.ge [sflag:s17], $0xC8  }
0x3f: {  	[sflag:s17] =	ssyncset.done $0x0  }
0x40: {  	[sflag:s17] =	ssyncadd.s32 $0xFFFFFF38  }
0x41: {  	_ =	swait.ge [sflag:s29], $0x1900  }
0x42: {  	[sflag:s29] =	ssyncset.done $0x0  }
0x43: {  	[sflag:s29] =	ssyncadd.s32 $0xFFFFE700  }
0x44: {  	[tilespmem:s19], [sflag:$0x1] =	stream.indirect.gather [hbm4b:s3+s18], $0x20, s2, s18, $0xb8;
	[tilespmem:$0x6720] =	vst v63  }
0x45: {  	_ =	swait.ge [sflag:s30], $0x1900  }
0x46: {  	[sflag:s30] =	ssyncset.done $0x0  }
0x47: {  	s11 =	rddreg [dreg:$0x5];
	[sflag:s30] =	ssyncadd.s32 $0xFFFFE700  }
0x48: {  	[hbm4b:s15+s26] =	stream.strided.scatter [tilespmem:s20], [sflag:$0x6], $0x1900, s28, s26, $0x38;
	[tilespmem:$0x6720] =	vst v63  }
0x49: {  	s4 =	sadd.s32 $0x0, s11  }
0x4a: {  	[tilespmem:s18], [sflag:$0x9] =	stream.linear.gather [hbm4b:s4+s2], $0xC8, $0x38;
	[tilespmem:$0x6720] =	vst v63  }
0x4b: {  	_ =	swait.ge [sflag:s17], $0xC8  }
0x4c: {  	[sflag:s17] =	ssyncset.done $0x0  }
0x4d: {  	[sflag:s17] =	ssyncadd.s32 $0xFFFFFF38  }
0x4e: {  	_ =	swait.ge [sflag:s31], $0x1900  }
0x4f: {  	[sflag:s31] =	ssyncset.done $0x0  }
0x50: {  	[sflag:s31] =	ssyncadd.s32 $0xFFFFE700  }
0x51: {  	[tilespmem:s20], [sflag:$0x2] =	stream.indirect.gather [hbm4b:s3+s18], $0x20, s18, s18, $0xb8;
	[tilespmem:$0x6720] =	vst v63  }
0x52: {  	_ =	swait.ge [sflag:s0], $0x1900  }
0x53: {  	[sflag:s0] =	ssyncset.done $0x0  }
0x54: {  	s12 =	rddreg [dreg:$0x4];
	[sflag:s0] =	ssyncadd.s32 $0xFFFFE700  }
0x55: {  	[hbm4b:s14+s26] =	stream.strided.scatter [tilespmem:s22], [sflag:$0x7], $0x1900, s28, s26, $0x38;
	[tilespmem:$0x6720] =	vst v63  }
0x56: {  	s4 =	sadd.s32 $0x0, s12  }
0x57: {  	[tilespmem:s21], [sflag:$0x9] =	stream.linear.gather [hbm4b:s4+s2], $0xC8, $0x38;
	[tilespmem:$0x6720] =	vst v63  }
0x58: {  	_ =	swait.ge [sflag:s17], $0xC8  }
0x59: {  	[sflag:s17] =	ssyncset.done $0x0  }
0x5a: {  	[sflag:s17] =	ssyncadd.s32 $0xFFFFFF38  }
0x5b: {  	_ =	swait.ge [sflag:s1], $0x1900  }
0x5c: {  	[sflag:s1] =	ssyncset.done $0x0  }
0x5d: {  	[sflag:s1] =	ssyncadd.s32 $0xFFFFE700  }
0x5e: {  	[tilespmem:s22], [sflag:$0x3] =	stream.indirect.gather [hbm4b:s3+s18], $0x20, s21, s18, $0xb8;
	[tilespmem:$0x6720] =	vst v63  }
0x5f: {  	_ =	swait.ge [sflag:s5], $0x1900  }
0x60: {  	[sflag:s5] =	ssyncset.done $0x0;
	s13 =	rddreg [dreg:$0x3]  }
0x61: {  	s11 =	rddreg [dreg:$0x10];
	[sflag:s5] =	ssyncadd.s32 $0xFFFFE700  }
0x62: {  	[hbm4b:s11+s26] =	stream.strided.scatter [tilespmem:s24], [sflag:$0x8], $0x1900, s28, s26, $0x38;
	[tilespmem:$0x6720] =	vst v63  }
0x63: {  	s4 =	sadd.s32 $0x0, s13  }
0x64: {  	[tilespmem:s23], [sflag:$0x9] =	stream.linear.gather [hbm4b:s4+s2], $0xC8, $0x38;
	[tilespmem:$0x6720] =	vst v63  }
0x65: {  	_ =	swait.ge [sflag:s17], $0xC8  }
0x66: {  	[sflag:s17] =	ssyncset.done $0x0  }
0x67: {  	[sflag:s17] =	ssyncadd.s32 $0xFFFFFF38  }
0x68: {  	s8 =	simm.s32 $0x64;
	_ =	swait.ge [sflag:s6], $0x1900  }
0x69: {  	s9 =	sadd.s32 $0x10, s15;
	s10 =	sadd.s32 $0x10, s16;
	[sflag:s6] =	ssyncset.done $0x0  }
0x6a: {  	s12 =	sadd.s32 $0x10, s14;
	s11 =	sadd.s32 $0x10, s11;
	[sflag:s6] =	ssyncadd.s32 $0xFFFFE700  }
.LBB2_2:
0x6b: {  	[tilespmem:s24], [sflag:$0x4] =	stream.indirect.gather [hbm4b:s3+s18], $0x20, s23, s18, $0xb8;
	[tilespmem:$0x6720] =	vst v63  }
0x6c: {  	_ =	swait.ge [sflag:s25], $0x1900  }
0x6d: {  	[sflag:s25] =	ssyncset.done $0x0  }
0x6e: {  	s4 =	smov.u32 s8;
	s13 =	rddreg [dreg:$0x6];
	[sflag:s25] =	ssyncadd.s32 $0xFFFFE700  }
0x6f: {  	[hbm4b:s10+s26] =	stream.strided.scatter [tilespmem:s19], [sflag:$0x5], $0x1900, s28, s26, $0x38;
	[tilespmem:$0x6720] =	vst v63  }
0x70: {  	s13 =	sadd.s32 s4, s13  }
0x71: {  	[tilespmem:s2], [sflag:$0x9] =	stream.linear.gather [hbm4b:s13+s2], $0xC8, $0x38;
	[tilespmem:$0x6720] =	vst v63  }
0x72: {  	_ =	swait.ge [sflag:s17], $0xC8  }
0x73: {  	[sflag:s17] =	ssyncset.done $0x0  }
0x74: {  	[sflag:s17] =	ssyncadd.s32 $0xFFFFFF38  }
0x75: {  	_ =	swait.ge [sflag:s29], $0x1900  }
0x76: {  	[sflag:s29] =	ssyncset.done $0x0  }
0x77: {  	[sflag:s29] =	ssyncadd.s32 $0xFFFFE700  }
0x78: {  	[tilespmem:s19], [sflag:$0x1] =	stream.indirect.gather [hbm4b:s3+s18], $0x20, s2, s18, $0xb8;
	[tilespmem:$0x6720] =	vst v63  }
0x79: {  	_ =	swait.ge [sflag:s30], $0x1900  }
0x7a: {  	[sflag:s30] =	ssyncset.done $0x0  }
0x7b: {  	s13 =	rddreg [dreg:$0x5];
	[sflag:s30] =	ssyncadd.s32 $0xFFFFE700  }
0x7c: {  	[hbm4b:s9+s26] =	stream.strided.scatter [tilespmem:s20], [sflag:$0x6], $0x1900, s28, s26, $0x38;
	[tilespmem:$0x6720] =	vst v63  }
0x7d: {  	s13 =	sadd.s32 s4, s13  }
0x7e: {  	[tilespmem:s18], [sflag:$0x9] =	stream.linear.gather [hbm4b:s13+s2], $0xC8, $0x38;
	[tilespmem:$0x6720] =	vst v63  }
0x7f: {  	_ =	swait.ge [sflag:s17], $0xC8  }
0x80: {  	[sflag:s17] =	ssyncset.done $0x0  }
0x81: {  	[sflag:s17] =	ssyncadd.s32 $0xFFFFFF38  }
0x82: {  	_ =	swait.ge [sflag:s31], $0x1900  }
0x83: {  	[sflag:s31] =	ssyncset.done $0x0  }
0x84: {  	[sflag:s31] =	ssyncadd.s32 $0xFFFFE700  }
0x85: {  	[tilespmem:s20], [sflag:$0x2] =	stream.indirect.gather [hbm4b:s3+s18], $0x20, s18, s18, $0xb8;
	[tilespmem:$0x6720] =	vst v63  }
0x86: {  	_ =	swait.ge [sflag:s0], $0x1900  }
0x87: {  	[sflag:s0] =	ssyncset.done $0x0  }
0x88: {  	s13 =	rddreg [dreg:$0x4];
	[sflag:s0] =	ssyncadd.s32 $0xFFFFE700  }
0x89: {  	[hbm4b:s12+s26] =	stream.strided.scatter [tilespmem:s22], [sflag:$0x7], $0x1900, s28, s26, $0x38;
	[tilespmem:$0x6720] =	vst v63  }
0x8a: {  	s13 =	sadd.s32 s4, s13  }
0x8b: {  	[tilespmem:s21], [sflag:$0x9] =	stream.linear.gather [hbm4b:s13+s2], $0xC8, $0x38;
	[tilespmem:$0x6720] =	vst v63  }
0x8c: {  	_ =	swait.ge [sflag:s17], $0xC8  }
0x8d: {  	[sflag:s17] =	ssyncset.done $0x0  }
0x8e: {  	[sflag:s17] =	ssyncadd.s32 $0xFFFFFF38  }
0x8f: {  	_ =	swait.ge [sflag:s1], $0x1900  }
0x90: {  	[sflag:s1] =	ssyncset.done $0x0  }
0x91: {  	[sflag:s1] =	ssyncadd.s32 $0xFFFFE700  }
0x92: {  	[tilespmem:s22], [sflag:$0x3] =	stream.indirect.gather [hbm4b:s3+s18], $0x20, s21, s18, $0xb8;
	[tilespmem:$0x6720] =	vst v63  }
0x93: {  	_ =	swait.ge [sflag:s5], $0x1900  }
0x94: {  	[sflag:s5] =	ssyncset.done $0x0  }
0x95: {  	s13 =	rddreg [dreg:$0x3];
	[sflag:s5] =	ssyncadd.s32 $0xFFFFE700  }
0x96: {  	[hbm4b:s11+s26] =	stream.strided.scatter [tilespmem:s24], [sflag:$0x8], $0x1900, s28, s26, $0x38;
	[tilespmem:$0x6720] =	vst v63  }
0x97: {  	s4 =	sadd.s32 s4, s13  }
0x98: {  	[tilespmem:s23], [sflag:$0x9] =	stream.linear.gather [hbm4b:s4+s2], $0xC8, $0x38;
	[tilespmem:$0x6720] =	vst v63  }
0x99: {  	p0 =	sne.s32 s8, $0xBB8;
	_ =	swait.ge [sflag:s17], $0xC8  }
.Ltmp0:
0x9a: {  	[sflag:s17] =	ssyncset.done $0x0;
	(pc) =	sbr.rel @p0 .LBB2_2-.Ltmp0, $4  }
0x9b: {  	[sflag:s17] =	ssyncadd.s32 $0xFFFFFF38  }
0x9c: {  	s8 =	sadd.s32 $0x64, s8;
	_ =	swait.ge [sflag:s6], $0x1900  }
0x9d: {  	s10 =	sadd.s32 $0x10, s10;
	s9 =	sadd.s32 $0x10, s9;
	[sflag:s6] =	ssyncset.done $0x0  }
0x9e: {  	s12 =	sadd.s32 $0x10, s12;
	s11 =	sadd.s32 $0x10, s11;
	[sflag:s6] =	ssyncadd.s32 $0xFFFFE700  }
0x9f: {  	[tilespmem:s24], [sflag:$0x4] =	stream.indirect.gather [hbm4b:s3+s18], $0x20, s23, s18, $0xb8;
	[tilespmem:$0x6720] =	vst v63  }
0xa0: {  	_ =	swait.ge [sflag:s25], $0x1900  }
0xa1: {  	[sflag:s25] =	ssyncset.done $0x0  }
0xa2: {  	s4 =	rddreg [dreg:$0xb];
	[sflag:s25] =	ssyncadd.s32 $0xFFFFE700  }
0xa3: {  	[hbm4b:s4+s26] =	stream.strided.scatter [tilespmem:s19], [sflag:$0x5], $0x1900, s28, s26, $0x38;
	[tilespmem:$0x6720] =	vst v63  }
0xa4: {  	_ =	swait.ge [sflag:s30], $0x1900  }
0xa5: {  	[sflag:s30] =	ssyncset.done $0x0  }
0xa6: {  	s10 =	rddreg [dreg:$0xc];
	[sflag:s30] =	ssyncadd.s32 $0xFFFFE700  }
0xa7: {  	[hbm4b:s10+s26] =	stream.strided.scatter [tilespmem:s20], [sflag:$0x6], $0x1900, s28, s26, $0x38;
	[tilespmem:$0x6720] =	vst v63  }
0xa8: {  	_ =	swait.ge [sflag:s0], $0x1900  }
0xa9: {  	[sflag:s0] =	ssyncset.done $0x0  }
0xaa: {  	s11 =	rddreg [dreg:$0xd];
	[sflag:s0] =	ssyncadd.s32 $0xFFFFE700  }
0xab: {  	[hbm4b:s11+s26] =	stream.strided.scatter [tilespmem:s22], [sflag:$0x7], $0x1900, s28, s26, $0x38;
	[tilespmem:$0x6720] =	vst v63  }
0xac: {  	_ =	swait.ge [sflag:s5], $0x1900  }
0xad: {  	[sflag:s5] =	ssyncset.done $0x0  }
0xae: {  	s12 =	rddreg [dreg:$0xe];
	[sflag:s5] =	ssyncadd.s32 $0xFFFFE700  }
0xaf: {  	[hbm4b:s12+s26] =	stream.strided.scatter [tilespmem:s24], [sflag:$0x8], $0x1900, s28, s26, $0x38;
	[tilespmem:$0x6720] =	vst v63  }
0xb0: {  	_ =	swait.ge [sflag:s29], $0x1900  }
0xb1: {  	[sflag:s29] =	ssyncset.done $0x0  }
0xb2: {  	[sflag:s29] =	ssyncadd.s32 $0xFFFFE700  }
0xb3: {  	_ =	swait.ge [sflag:s31], $0x1900  }
0xb4: {  	[sflag:s31] =	ssyncset.done $0x0  }
0xb5: {  	[sflag:s31] =	ssyncadd.s32 $0xFFFFE700  }
0xb6: {  	_ =	swait.ge [sflag:s1], $0x1900  }
0xb7: {  	[sflag:s1] =	ssyncset.done $0x0  }
0xb8: {  	[sflag:s1] =	ssyncadd.s32 $0xFFFFE700  }
0xb9: {  	_ =	swait.ge [sflag:s6], $0x1900  }
0xba: {  	s7 =	sadd.s32 $0x1, s7;
	s13 =	rddreg [dreg:$0xf]  }
0xbb: {  	p0 =	sne.s32 s7, s13  }
.Ltmp1:
0xbc: {  	_ = 	snop;
	(pc) =	sbr.rel @p0 .LBB2_1-.Ltmp1, $3  }
0xbd: {  	_ =	sdelay $0x1  }
0xbe: {  	[sflag:s6] =	ssyncset.done $0x0  }
0xbf: {  	[sflag:s6] =	ssyncadd.s32 $0xFFFFE700  }
0xc0: {  	_ =	sfence.sel $0x180000  }
0xc1: {  	[bflag:$0x0] =	sbarrier.arrive $0xFFFF  }
0xc2: {  	_ =	strace $0x90000047  }
0xc3: {  	s0 =	stileid.u32;
	[bflag:$0x2] =	sbarrier.arrive $0xFFFF  }
0xc4: {  	p0 =	sne.s32 s0, $0x0;
	s0 =	rddreg [dreg:$0x2]  }
0xc5: {  	s0 =	sadd.s32 @!p0 $0x100000, s0  }
0xc6: {  	[sflag:s0] =	ssyncadd.tile.s32 @!p0 $0x1;
	_ =	shalt  }
.Lfunc_end2:
_tile_overlayer_lowered:
.L_overlay_start_2:
0xc7: {  	(tag) =	ssettag $0x2  }
0xc8: {  	s0 =	rddreg [dreg:$0x0];
	s2 =	stileid.u32  }
0xc9: {  	s1 =	rddreg [dreg:$0x1];
	p0 =	sne.s32 s2, $0x0  }
0xca: {  	s3 =	rddreg [dreg:$0x2];
	[bflag:$0x3] =	sbarrier.arrive $0xFFFF;
	s2 =	simm.s32 @!p0 $0x1C09  }
0xcb: {  	[timem:s3], [sflag:s2] =	dma.local @!p0 [hbm:s0], s1  }
0xcc: {  	s0 =	simm.s32 @!p0 $0x9  }
0xcd: {  	_ =	swait.ge @!p0 [sflag:s0], s1  }
0xce: {  	s1 =	ssub.s32 @!p0 $0x0, s1;
	[sflag:s0] =	ssyncset.done @!p0 $0x0  }
0xcf: {  	[sflag:s0] =	ssyncadd.s32 @!p0 s1  }
0xd0: {  	[bflag:$0x3] =	sbarrier.arrive $0xFFFF  }
0xd1: {  	_ =	shalt  }

</sc_bundles>
